<compile_context>
chip_gen: v7x
topology: tpu7x:2x2x1
jax: 0.10.2.dev20260603
libtpu: 0.0.44.dev20260713+nightly
codegen_flags: <defaults>
</compile_context>

<pallas_src>
import functools

import jax
import jax.numpy as jnp
from jax import lax
from jax.experimental import pallas as pl
from jax.experimental.pallas import tpu as pltpu
from jax.experimental.pallas import tpu_sc as plsc

N = 10000
DI = 128
DO = 128

NC = 2
NS = 16
NW = NC * NS
CHUNK = 128
NSEC = 2

N_PAD = 10112
ROWS_PER_SUB = N_PAD // NS


SEC = 40


def _sc_aggregate(x, ec):
    ct = ec.shape[1]
    blocks, tail = ct // 8, ct % 8
    bb, extra = blocks // NW, blocks % NW
    nbig, blen, slen = extra, 8 * (bb + 1), 8 * bb
    assert blen <= 2 * SEC and slen in (blen - 8, blen) and tail % 2 == 0
    assert tail == 0 or nbig < NW
    mesh = plsc.VectorSubcoreMesh(core_axis_name="c", subcore_axis_name="s")

    @functools.partial(
        pl.kernel,
        out_type=jax.ShapeDtypeStruct((NC, N_PAD, DI), jnp.float32),
        mesh=mesh,
        scratch_types=[
            pltpu.VMEM((2, SEC, CHUNK), jnp.int32),
            pltpu.VMEM((2 * CHUNK, DI), jnp.float32),
            pltpu.VMEM_SHARED((N_PAD, DI), jnp.float32),
            pltpu.SemaphoreType.DMA,
            pltpu.SemaphoreType.DMA,
        ],
    )
    def k(x_hbm, ec_hbm, out_hbm, idx_v, rows_v, agg_sh, sem_a, sem_b):
        cid = lax.axis_index("c")
        sid = lax.axis_index("s")
        wid = cid * NS + sid
        my_rows = pl.ds(sid * ROWS_PER_SUB, ROWS_PER_SUB)
        zv = jnp.zeros((16,), jnp.float32)

        def zbody(r, carry):
            for l in range(DI // 16):
                rows_v[r, pl.ds(l * 16, 16)] = zv
            return carry

        lax.fori_loop(0, 2 * CHUNK, zbody, 0, unroll=False)
        base = sid * ROWS_PER_SUB
        for off in range(0, ROWS_PER_SUB, 2 * CHUNK):
            nrows = min(2 * CHUNK, ROWS_PER_SUB - off)
            pltpu.sync_copy(rows_v.at[pl.ds(0, nrows)],
                            agg_sh.at[pl.ds(base + off, nrows)])
        plsc.subcore_barrier()

        bufs = ((pl.ds(0, CHUNK), sem_a), (pl.ds(CHUNK, CHUNK), sem_b))

        def section(a, n):
            a = pl.multiple_of(a, 8)
            pltpu.sync_copy(ec_hbm.at[1, pl.ds(a, n)], idx_v.at[0, pl.ds(0, n)])
            pltpu.sync_copy(ec_hbm.at[0, pl.ds(a, n)], idx_v.at[1, pl.ds(0, n)])
            pltpu.async_copy(x_hbm.at[idx_v.at[0, 0]], rows_v.at[bufs[0][0]],
                             sem_a)

            def body(i, carry):
                for p in range(2):
                    j = 2 * i + p
                    half, sem = bufs[p]
                    nhalf, nsem = bufs[1 - p]

                    @pl.when(j + 1 < n)
                    def _():
                        pltpu.async_copy(x_hbm.at[idx_v.at[0, j + 1]],
                                         rows_v.at[nhalf], nsem)

                    pltpu.make_async_copy(x_hbm.at[idx_v.at[0, j]],
                                          rows_v.at[half], sem).wait()
                    pltpu.sync_copy(rows_v.at[half], agg_sh.at[idx_v.at[1, j]],
                                    add=True)
                return carry

            lax.fori_loop(0, n // 2, body, 0, unroll=False)

        @pl.when(wid < nbig)
        def _():
            start = blen * wid
            for h in range(0, blen, SEC):
                section(start + h, min(SEC, blen - h))

        @pl.when(wid >= nbig)
        def _():
            start = slen * wid + (blen - slen) * nbig
            for h in range(0, slen, SEC):
                section(start + h, min(SEC, slen - h))

        if tail:
            @pl.when(wid == nbig)
            def _():
                section(ct - tail, tail)

        plsc.subcore_barrier()
        pltpu.sync_copy(agg_sh.at[my_rows], out_hbm.at[cid].at[my_rows])

    return k(x, ec)


BM = 2000
NB = N // BM


def _tc_mlp(x, parts, eps, W1, b1, g1, be1, W2, b2, g2, be2, interpret=False):
    def body(x_ref, p_ref, eps_ref, W1_ref, b1_ref, g1_ref, be1_ref,
             W2_ref, b2_ref, g2_ref, be2_ref, o_ref, y_s, z_s, st_s):
        ph = pl.program_id(0)
        b = pl.program_id(1)
        rows = pl.ds(b * BM, BM)

        @pl.when(ph == 0)
        def _():
            agg = p_ref[0] + p_ref[1]
            h = (1.0 + eps_ref[0]) * x_ref[...] + agg
            y = jnp.dot(h, W1_ref[...], preferred_element_type=jnp.float32,
                        precision=lax.Precision.DEFAULT) + b1_ref[...]
            y_s[rows, :] = y

            @pl.when(b == 0)
            def _():
                st_s[...] = jnp.zeros_like(st_s)

            st_s[0:1, :] += jnp.sum(y, axis=0, keepdims=True)
            st_s[1:2, :] += jnp.sum(y * y, axis=0, keepdims=True)

        @pl.when(ph == 1)
        def _():
            mu = st_s[0:1, :] * (1.0 / N)
            var = st_s[1:2, :] * (1.0 / N) - mu * mu
            y = y_s[rows, :]
            y = g1_ref[...] * (y - mu) * lax.rsqrt(var + 1e-5) + be1_ref[...]
            y = jnp.maximum(y, 0.0)
            z = jnp.dot(y, W2_ref[...], preferred_element_type=jnp.float32,
                        precision=lax.Precision.DEFAULT) + b2_ref[...]
            z_s[rows, :] = z
            st_s[2:3, :] += jnp.sum(z, axis=0, keepdims=True)
            st_s[3:4, :] += jnp.sum(z * z, axis=0, keepdims=True)

        @pl.when(ph == 2)
        def _():
            mu = st_s[2:3, :] * (1.0 / N)
            var = st_s[3:4, :] * (1.0 / N) - mu * mu
            z = z_s[rows, :]
            z = g2_ref[...] * (z - mu) * lax.rsqrt(var + 1e-5) + be2_ref[...]
            o_ref[...] = jnp.maximum(z, 0.0)

    last = NB - 1
    return pl.pallas_call(
        body,
        grid=(3, NB),
        in_specs=[
            pl.BlockSpec((BM, DI), lambda ph, b: (jnp.where(ph == 0, b, last), 0)),
            pl.BlockSpec((NC, BM, DI),
                         lambda ph, b: (0, jnp.where(ph == 0, b, last), 0)),
            pl.BlockSpec(memory_space=pltpu.SMEM),
            pl.BlockSpec((DI, DO), lambda ph, b: (0, 0)),
            pl.BlockSpec((DO,), lambda ph, b: (0,)),
            pl.BlockSpec((DO,), lambda ph, b: (0,)),
            pl.BlockSpec((DO,), lambda ph, b: (0,)),
            pl.BlockSpec((DO, DO), lambda ph, b: (0, 0)),
            pl.BlockSpec((DO,), lambda ph, b: (0,)),
            pl.BlockSpec((DO,), lambda ph, b: (0,)),
            pl.BlockSpec((DO,), lambda ph, b: (0,)),
        ],
        out_specs=pl.BlockSpec((BM, DO),
                               lambda ph, b: (jnp.where(ph == 2, b, 0), 0)),
        out_shape=jax.ShapeDtypeStruct((N, DO), jnp.float32),
        scratch_shapes=[
            pltpu.VMEM((N, DO), jnp.float32),
            pltpu.VMEM((N, DO), jnp.float32),
            pltpu.VMEM((8, DO), jnp.float32),
        ],
        interpret=interpret,
    )(x, parts, eps, W1, b1, g1, be1, W2, b2, g2, be2)


def kernel(x, edge_index, eps, W1, b1, gamma1, beta1, W2, b2, gamma2, beta2):
    e = edge_index.shape[1]
    assert e % CHUNK == 0
    ec = edge_index.astype(jnp.int32).reshape(2, e // CHUNK, CHUNK)
    parts = _sc_aggregate(x, ec)
    return _tc_mlp(x, parts, eps, W1, b1, gamma1, beta1, W2, b2, gamma2, beta2)

# --- scband reference (transcript-rebuilt; emitter-appended) ---
"""Pipeline reference for scband-ginlayer-1769526526270 (READ-ONLY COPY).

The authoritative reference and input builder live on the scoring server;
editing this copy changes nothing except your own understanding.
"""

import jax, jax.numpy as jnp
import numpy as np

N = 10000
E = 320000
DI = 128
DO = 128


def setup_inputs(seed: int = 0) -> dict:
    key = jax.random.key(seed)
    k = jax.random.split(key, 8)
    x = jax.random.normal(k[0], (N, DI), dtype=jnp.float32)
    edge_index = jax.random.randint(k[1], (2, E), 0, N, dtype=jnp.int64)
    eps = jnp.zeros((1,), dtype=jnp.float32)
    W1 = jax.random.normal(k[2], (DI, DO), dtype=jnp.float32) * 0.05
    b1 = jnp.zeros((DO,), dtype=jnp.float32)
    gamma1 = jnp.ones((DO,), dtype=jnp.float32)
    beta1 = jnp.zeros((DO,), dtype=jnp.float32)
    W2 = jax.random.normal(k[3], (DO, DO), dtype=jnp.float32) * 0.05
    b2 = jnp.zeros((DO,), dtype=jnp.float32)
    gamma2 = jnp.ones((DO,), dtype=jnp.float32)
    beta2 = jnp.zeros((DO,), dtype=jnp.float32)
    return {"x": x, "edge_index": edge_index, "eps": eps, "W1": W1, "b1": b1,
            "gamma1": gamma1, "beta1": beta1, "W2": W2, "b2": b2,
            "gamma2": gamma2, "beta2": beta2}


def _batchnorm(h, gamma, beta):
    # BatchNorm1d in training mode: biased batch statistics
    mu = jnp.mean(h, axis=0)
    var = jnp.var(h, axis=0)
    return gamma * (h - mu) / jnp.sqrt(var + 1e-5) + beta


def reference(x, edge_index, eps, W1, b1, gamma1, beta1, W2, b2, gamma2, beta2):
    # torch.sparse.mm(a, x): result[row] += x[col] for each nonzero (row, col)
    dst = edge_index[0]
    src = edge_index[1]
    agg = jnp.zeros_like(x).at[dst].add(x[src])
    h = (1.0 + eps[0]) * x + agg
    h = h @ W1 + b1
    h = _batchnorm(h, gamma1, beta1)
    h = jax.nn.relu(h)
    h = h @ W2 + b2
    h = _batchnorm(h, gamma2, beta2)
    h = jax.nn.relu(h)
    return h

if __name__ == "__main__":
    import jax
    _d = setup_inputs()
    print(jax.jit(kernel)(*tuple(_d.values())))

</pallas_src>

<mosaic_0001>
#map = affine_map<(d0, d1) -> (0, 0)>
#map1 = affine_map<(d0, d1) -> (0, 0, 0)>
module attributes {stable_mosaic.version = 14 : i64} {
  func.func @k(%arg0: i32, %arg1: i32, %arg2: memref<10000x128xf32, #tpu.memory_space<hbm>>, %arg3: memref<2x2500x128xi32, #tpu.memory_space<hbm>>, %arg4: memref<2x10112x128xf32, #tpu.memory_space<hbm>>, %arg5: memref<2x40x128xi32, #tpu.memory_space<vmem>>, %arg6: memref<256x128xf32, #tpu.memory_space<vmem>>, %arg7: memref<10112x128xf32, #tpu.memory_space<vmem_shared>>, %arg8: memref<!tpu.dma_semaphore, #tpu.memory_space<semaphore_mem>>, %arg9: memref<!tpu.dma_semaphore, #tpu.memory_space<semaphore_mem>>) attributes {dimension_semantics = [#tpu.dimension_semantics<core_parallel>, #tpu.dimension_semantics<subcore_parallel>], iteration_bounds = array<i64: 2, 16>, scalar_prefetch = 0 : i64, scratch_operands = 5 : i64, tpu.core_type = #tpu.core_type<sc_vector_subcore>, window_params = [{transform_indices = #map}, {transform_indices = #map1}, {transform_indices = #map1}]} {
    %mul3A = arith.constant 16 : i32
    %mul3A_0 = arith.muli %arg0, %mul3A : i32
    %add3A = arith.addi %mul3A_0, %arg1 : i32
    %mul3A_1 = arith.constant 632 : i32
    %mul3A_2 = arith.muli %arg1, %mul3A_1 : i32
    %broadcast_in_dim3A = arith.constant 0.000000e+00 : f32
    %broadcast_in_dim3A_3 = vector.broadcast %broadcast_in_dim3A : f32 to vector<16xf32>
    %scan3A = arith.constant 0 : i32
    %scan3A_4 = arith.constant 0 : i32
    %scan3A_5 = arith.constant 256 : i32
    %scan3A_6 = arith.addi %scan3A_4, %scan3A_5 : i32
    %scan3A_7 = arith.constant 1 : i32
    scf.for %scan3A_28 = %scan3A_4 to %scan3A_6 step %scan3A_7  : i32 {
      %swap3A = arith.index_cast %scan3A_28 : i32 to index
      %swap3A_29 = arith.constant 0 : index
      %swap3A_30 = tpu.vector_load %arg6[%swap3A, %swap3A_29] {strides = array<i32>} : memref<256x128xf32, #tpu.memory_space<vmem>>, vector<1x16xf32>,
      %swap3A_31 = vector.shape_cast %swap3A_30 : vector<1x16xf32> to vector<16xf32>
      %swap3A_32 = vector.shape_cast %broadcast_in_dim3A_3 : vector<16xf32> to vector<1x16xf32>
      tpu.vector_store %arg6[%swap3A, %swap3A_29], %swap3A_32 {strides = array<i32>} : memref<256x128xf32, #tpu.memory_space<vmem>>, vector<1x16xf32>,
      %swap3A_33 = arith.index_cast %scan3A_28 : i32 to index
      %swap3A_34 = arith.constant 16 : index
      %swap3A_35 = tpu.vector_load %arg6[%swap3A_33, %swap3A_34] {strides = array<i32>} : memref<256x128xf32, #tpu.memory_space<vmem>>, vector<1x16xf32>,
      %swap3A_36 = vector.shape_cast %swap3A_35 : vector<1x16xf32> to vector<16xf32>
      %swap3A_37 = vector.shape_cast %broadcast_in_dim3A_3 : vector<16xf32> to vector<1x16xf32>
      tpu.vector_store %arg6[%swap3A_33, %swap3A_34], %swap3A_37 {strides = array<i32>} : memref<256x128xf32, #tpu.memory_space<vmem>>, vector<1x16xf32>,
      %swap3A_38 = arith.index_cast %scan3A_28 : i32 to index
      %swap3A_39 = arith.constant 32 : index
      %swap3A_40 = tpu.vector_load %arg6[%swap3A_38, %swap3A_39] {strides = array<i32>} : memref<256x128xf32, #tpu.memory_space<vmem>>, vector<1x16xf32>,
      %swap3A_41 = vector.shape_cast %swap3A_40 : vector<1x16xf32> to vector<16xf32>
      %swap3A_42 = vector.shape_cast %broadcast_in_dim3A_3 : vector<16xf32> to vector<1x16xf32>
      tpu.vector_store %arg6[%swap3A_38, %swap3A_39], %swap3A_42 {strides = array<i32>} : memref<256x128xf32, #tpu.memory_space<vmem>>, vector<1x16xf32>,
      %swap3A_43 = arith.index_cast %scan3A_28 : i32 to index
      %swap3A_44 = arith.constant 48 : index
      %swap3A_45 = tpu.vector_load %arg6[%swap3A_43, %swap3A_44] {strides = array<i32>} : memref<256x128xf32, #tpu.memory_space<vmem>>, vector<1x16xf32>,
      %swap3A_46 = vector.shape_cast %swap3A_45 : vector<1x16xf32> to vector<16xf32>
      %swap3A_47 = vector.shape_cast %broadcast_in_dim3A_3 : vector<16xf32> to vector<1x16xf32>
      tpu.vector_store %arg6[%swap3A_43, %swap3A_44], %swap3A_47 {strides = array<i32>} : memref<256x128xf32, #tpu.memory_space<vmem>>, vector<1x16xf32>,
      %swap3A_48 = arith.index_cast %scan3A_28 : i32 to index
      %swap3A_49 = arith.constant 64 : index
      %swap3A_50 = tpu.vector_load %arg6[%swap3A_48, %swap3A_49] {strides = array<i32>} : memref<256x128xf32, #tpu.memory_space<vmem>>, vector<1x16xf32>,
      %swap3A_51 = vector.shape_cast %swap3A_50 : vector<1x16xf32> to vector<16xf32>
      %swap3A_52 = vector.shape_cast %broadcast_in_dim3A_3 : vector<16xf32> to vector<1x16xf32>
      tpu.vector_store %arg6[%swap3A_48, %swap3A_49], %swap3A_52 {strides = array<i32>} : memref<256x128xf32, #tpu.memory_space<vmem>>, vector<1x16xf32>,
      %swap3A_53 = arith.index_cast %scan3A_28 : i32 to index
      %swap3A_54 = arith.constant 80 : index
      %swap3A_55 = tpu.vector_load %arg6[%swap3A_53, %swap3A_54] {strides = array<i32>} : memref<256x128xf32, #tpu.memory_space<vmem>>, vector<1x16xf32>,
      %swap3A_56 = vector.shape_cast %swap3A_55 : vector<1x16xf32> to vector<16xf32>
      %swap3A_57 = vector.shape_cast %broadcast_in_dim3A_3 : vector<16xf32> to vector<1x16xf32>
      tpu.vector_store %arg6[%swap3A_53, %swap3A_54], %swap3A_57 {strides = array<i32>} : memref<256x128xf32, #tpu.memory_space<vmem>>, vector<1x16xf32>,
      %swap3A_58 = arith.index_cast %scan3A_28 : i32 to index
      %swap3A_59 = arith.constant 96 : index
      %swap3A_60 = tpu.vector_load %arg6[%swap3A_58, %swap3A_59] {strides = array<i32>} : memref<256x128xf32, #tpu.memory_space<vmem>>, vector<1x16xf32>,
      %swap3A_61 = vector.shape_cast %swap3A_60 : vector<1x16xf32> to vector<16xf32>
      %swap3A_62 = vector.shape_cast %broadcast_in_dim3A_3 : vector<16xf32> to vector<1x16xf32>
      tpu.vector_store %arg6[%swap3A_58, %swap3A_59], %swap3A_62 {strides = array<i32>} : memref<256x128xf32, #tpu.memory_space<vmem>>, vector<1x16xf32>,
      %swap3A_63 = arith.index_cast %scan3A_28 : i32 to index
      %swap3A_64 = arith.constant 112 : index
      %swap3A_65 = tpu.vector_load %arg6[%swap3A_63, %swap3A_64] {strides = array<i32>} : memref<256x128xf32, #tpu.memory_space<vmem>>, vector<1x16xf32>,
      %swap3A_66 = vector.shape_cast %swap3A_65 : vector<1x16xf32> to vector<16xf32>
      %swap3A_67 = vector.shape_cast %broadcast_in_dim3A_3 : vector<16xf32> to vector<1x16xf32>
      tpu.vector_store %arg6[%swap3A_63, %swap3A_64], %swap3A_67 {strides = array<i32>} : memref<256x128xf32, #tpu.memory_space<vmem>>, vector<1x16xf32>,
    }
    %scan3A_8 = arith.constant 256 : i32
    %mul3A_9 = arith.constant 632 : i32
    %mul3A_10 = arith.muli %arg1, %mul3A_9 : i32
    %add3A_11 = arith.constant 0 : i32
    %add3A_12 = arith.addi %mul3A_10, %add3A_11 : i32
    "tpu.region"() ({
      %run_scoped3A = tpu.sem_alloc : memref<!tpu.dma_semaphore, #tpu.memory_space<semaphore_mem>>
      %dma_start3A = arith.constant 0 : i32
      %dma_start3A_28 = arith.constant 0 : i32
      %dma_start3A_29 = tpu.memref_slice %arg6[%dma_start3A, %dma_start3A_28] : memref<256x128xf32, #tpu.memory_space<vmem>> -> memref<256x128xf32, #tpu.memory_space<vmem>>
      %dma_start3A_30 = arith.constant 0 : i32
      %dma_start3A_31 = tpu.memref_slice %arg7[%add3A_12, %dma_start3A_30] : memref<10112x128xf32, #tpu.memory_space<vmem_shared>> -> memref<256x128xf32, #tpu.memory_space<vmem_shared>>
      %dma_start3A_32 = arith.constant 0 : i32
      %dma_start3A_33 = tpu.memref_slice %arg7[%add3A_12, %dma_start3A_32] : memref<10112x128xf32, #tpu.memory_space<vmem_shared>> -> memref<256x128xf32, #tpu.memory_space<vmem_shared>>
      %dma_start3A_34 = arith.constant 0 : i32
      %dma_start3A_35 = arith.constant 0 : i32
      %dma_start3A_36 = tpu.memref_slice %arg6[%dma_start3A_34, %dma_start3A_35] : memref<256x128xf32, #tpu.memory_space<vmem>> -> memref<256x128xf32, #tpu.memory_space<vmem>>
      tpu.enqueue_dma source(%dma_start3A_36 : memref<256x128xf32, #tpu.memory_space<vmem>>) target(%dma_start3A_33 : memref<256x128xf32, #tpu.memory_space<vmem_shared>>) target_semaphore(%run_scoped3A : memref<!tpu.dma_semaphore, #tpu.memory_space<semaphore_mem>>)
      %dma_wait3A = arith.constant 0 : i32
      %dma_wait3A_37 = arith.constant 0 : i32
      %dma_wait3A_38 = tpu.memref_slice %arg6[%dma_wait3A, %dma_wait3A_37] : memref<256x128xf32, #tpu.memory_space<vmem>> -> memref<256x128xf32, #tpu.memory_space<vmem>>
      %dma_wait3A_39 = arith.constant 0 : i32
      %dma_wait3A_40 = tpu.memref_slice %arg7[%add3A_12, %dma_wait3A_39] : memref<10112x128xf32, #tpu.memory_space<vmem_shared>> -> memref<256x128xf32, #tpu.memory_space<vmem_shared>>
      %dma_wait3A_41 = arith.constant 0 : i32
      %dma_wait3A_42 = tpu.memref_slice %arg7[%add3A_12, %dma_wait3A_41] : memref<10112x128xf32, #tpu.memory_space<vmem_shared>> -> memref<256x128xf32, #tpu.memory_space<vmem_shared>>
      %dma_wait3A_43 = arith.constant 0 : i32
      %dma_wait3A_44 = arith.constant 0 : i32
      %dma_wait3A_45 = tpu.memref_slice %arg6[%dma_wait3A_43, %dma_wait3A_44] : memref<256x128xf32, #tpu.memory_space<vmem>> -> memref<256x128xf32, #tpu.memory_space<vmem>>
      tpu.wait_dma2 semaphore(%run_scoped3A : memref<!tpu.dma_semaphore, #tpu.memory_space<semaphore_mem>>) src(%dma_wait3A_45 : memref<256x128xf32, #tpu.memory_space<vmem>>) dst(%dma_wait3A_42 : memref<256x128xf32, #tpu.memory_space<vmem_shared>>)
      tpu.yield
    }) : () -> ()
    %add3A_13 = arith.constant 256 : i32
    %add3A_14 = arith.addi %mul3A_10, %add3A_13 : i32
    "tpu.region"() ({
      %run_scoped3A = tpu.sem_alloc : memref<!tpu.dma_semaphore, #tpu.memory_space<semaphore_mem>>
      %dma_start3A = arith.constant 0 : i32
      %dma_start3A_28 = arith.constant 0 : i32
      %dma_start3A_29 = tpu.memref_slice %arg6[%dma_start3A, %dma_start3A_28] : memref<256x128xf32, #tpu.memory_space<vmem>> -> memref<256x128xf32, #tpu.memory_space<vmem>>
      %dma_start3A_30 = arith.constant 0 : i32
      %dma_start3A_31 = tpu.memref_slice %arg7[%add3A_14, %dma_start3A_30] : memref<10112x128xf32, #tpu.memory_space<vmem_shared>> -> memref<256x128xf32, #tpu.memory_space<vmem_shared>>
      %dma_start3A_32 = arith.constant 0 : i32
      %dma_start3A_33 = tpu.memref_slice %arg7[%add3A_14, %dma_start3A_32] : memref<10112x128xf32, #tpu.memory_space<vmem_shared>> -> memref<256x128xf32, #tpu.memory_space<vmem_shared>>
      %dma_start3A_34 = arith.constant 0 : i32
      %dma_start3A_35 = arith.constant 0 : i32
      %dma_start3A_36 = tpu.memref_slice %arg6[%dma_start3A_34, %dma_start3A_35] : memref<256x128xf32, #tpu.memory_space<vmem>> -> memref<256x128xf32, #tpu.memory_space<vmem>>
      tpu.enqueue_dma source(%dma_start3A_36 : memref<256x128xf32, #tpu.memory_space<vmem>>) target(%dma_start3A_33 : memref<256x128xf32, #tpu.memory_space<vmem_shared>>) target_semaphore(%run_scoped3A : memref<!tpu.dma_semaphore, #tpu.memory_space<semaphore_mem>>)
      %dma_wait3A = arith.constant 0 : i32
      %dma_wait3A_37 = arith.constant 0 : i32
      %dma_wait3A_38 = tpu.memref_slice %arg6[%dma_wait3A, %dma_wait3A_37] : memref<256x128xf32, #tpu.memory_space<vmem>> -> memref<256x128xf32, #tpu.memory_space<vmem>>
      %dma_wait3A_39 = arith.constant 0 : i32
      %dma_wait3A_40 = tpu.memref_slice %arg7[%add3A_14, %dma_wait3A_39] : memref<10112x128xf32, #tpu.memory_space<vmem_shared>> -> memref<256x128xf32, #tpu.memory_space<vmem_shared>>
      %dma_wait3A_41 = arith.constant 0 : i32
      %dma_wait3A_42 = tpu.memref_slice %arg7[%add3A_14, %dma_wait3A_41] : memref<10112x128xf32, #tpu.memory_space<vmem_shared>> -> memref<256x128xf32, #tpu.memory_space<vmem_shared>>
      %dma_wait3A_43 = arith.constant 0 : i32
      %dma_wait3A_44 = arith.constant 0 : i32
      %dma_wait3A_45 = tpu.memref_slice %arg6[%dma_wait3A_43, %dma_wait3A_44] : memref<256x128xf32, #tpu.memory_space<vmem>> -> memref<256x128xf32, #tpu.memory_space<vmem>>
      tpu.wait_dma2 semaphore(%run_scoped3A : memref<!tpu.dma_semaphore, #tpu.memory_space<semaphore_mem>>) src(%dma_wait3A_45 : memref<256x128xf32, #tpu.memory_space<vmem>>) dst(%dma_wait3A_42 : memref<256x128xf32, #tpu.memory_space<vmem_shared>>)
      tpu.yield
    }) : () -> ()
    %add3A_15 = arith.constant 512 : i32
    %add3A_16 = arith.addi %mul3A_10, %add3A_15 : i32
    "tpu.region"() ({
      %run_scoped3A = tpu.sem_alloc : memref<!tpu.dma_semaphore, #tpu.memory_space<semaphore_mem>>
      %dma_start3A = arith.constant 0 : i32
      %dma_start3A_28 = arith.constant 0 : i32
      %dma_start3A_29 = tpu.memref_slice %arg6[%dma_start3A, %dma_start3A_28] : memref<256x128xf32, #tpu.memory_space<vmem>> -> memref<120x128xf32, #tpu.memory_space<vmem>>
      %dma_start3A_30 = arith.constant 0 : i32
      %dma_start3A_31 = tpu.memref_slice %arg7[%add3A_16, %dma_start3A_30] : memref<10112x128xf32, #tpu.memory_space<vmem_shared>> -> memref<120x128xf32, #tpu.memory_space<vmem_shared>>
      %dma_start3A_32 = arith.constant 0 : i32
      %dma_start3A_33 = tpu.memref_slice %arg7[%add3A_16, %dma_start3A_32] : memref<10112x128xf32, #tpu.memory_space<vmem_shared>> -> memref<120x128xf32, #tpu.memory_space<vmem_shared>>
      %dma_start3A_34 = arith.constant 0 : i32
      %dma_start3A_35 = arith.constant 0 : i32
      %dma_start3A_36 = tpu.memref_slice %arg6[%dma_start3A_34, %dma_start3A_35] : memref<256x128xf32, #tpu.memory_space<vmem>> -> memref<120x128xf32, #tpu.memory_space<vmem>>
      tpu.enqueue_dma source(%dma_start3A_36 : memref<120x128xf32, #tpu.memory_space<vmem>>) target(%dma_start3A_33 : memref<120x128xf32, #tpu.memory_space<vmem_shared>>) target_semaphore(%run_scoped3A : memref<!tpu.dma_semaphore, #tpu.memory_space<semaphore_mem>>)
      %dma_wait3A = arith.constant 0 : i32
      %dma_wait3A_37 = arith.constant 0 : i32
      %dma_wait3A_38 = tpu.memref_slice %arg6[%dma_wait3A, %dma_wait3A_37] : memref<256x128xf32, #tpu.memory_space<vmem>> -> memref<120x128xf32, #tpu.memory_space<vmem>>
      %dma_wait3A_39 = arith.constant 0 : i32
      %dma_wait3A_40 = tpu.memref_slice %arg7[%add3A_16, %dma_wait3A_39] : memref<10112x128xf32, #tpu.memory_space<vmem_shared>> -> memref<120x128xf32, #tpu.memory_space<vmem_shared>>
      %dma_wait3A_41 = arith.constant 0 : i32
      %dma_wait3A_42 = tpu.memref_slice %arg7[%add3A_16, %dma_wait3A_41] : memref<10112x128xf32, #tpu.memory_space<vmem_shared>> -> memref<120x128xf32, #tpu.memory_space<vmem_shared>>
      %dma_wait3A_43 = arith.constant 0 : i32
      %dma_wait3A_44 = arith.constant 0 : i32
      %dma_wait3A_45 = tpu.memref_slice %arg6[%dma_wait3A_43, %dma_wait3A_44] : memref<256x128xf32, #tpu.memory_space<vmem>> -> memref<120x128xf32, #tpu.memory_space<vmem>>
      tpu.wait_dma2 semaphore(%run_scoped3A : memref<!tpu.dma_semaphore, #tpu.memory_space<semaphore_mem>>) src(%dma_wait3A_45 : memref<120x128xf32, #tpu.memory_space<vmem>>) dst(%dma_wait3A_42 : memref<120x128xf32, #tpu.memory_space<vmem_shared>>)
      tpu.yield
    }) : () -> ()
    %barrier3A = arith.constant 0 : index
    tpu.barrier barrier_id(%barrier3A)
    %lt3A = arith.constant 24 : i32
    %lt3A_17 = arith.cmpi slt, %add3A, %lt3A : i32
    %convert_element_type3A = arith.extui %lt3A_17 : i1 to i32
    %cond3A = arith.constant 0 : i32
    %cond3A_18 = arith.cmpi ne, %convert_element_type3A, %cond3A : i32
    scf.if %cond3A_18 {
      %mul3A_28 = arith.constant 80 : i32
      %mul3A_29 = arith.muli %mul3A_28, %add3A : i32
      %add3A_30 = arith.constant 0 : i32
      %add3A_31 = arith.addi %mul3A_29, %add3A_30 : i32
      %multiple_of3A = tpu.assume_multiple %add3A_31, 8 : i32
      %run_scoped3A = arith.constant 1 : i32
      %run_scoped3A_32 = arith.constant 0 : i32
      "tpu.region"() ({
        %run_scoped3A_75 = tpu.sem_alloc : memref<!tpu.dma_semaphore, #tpu.memory_space<semaphore_mem>>
        %dma_start3A_76 = arith.constant 0 : i32
        %dma_start3A_77 = arith.constant 0 : i32
        %dma_start3A_78 = tpu.memref_slice %arg5[%run_scoped3A_32, %dma_start3A_76, %dma_start3A_77] : memref<2x40x128xi32, #tpu.memory_space<vmem>> -> memref<1x40x128xi32, #tpu.memory_space<vmem>>
        %dma_start3A_79 = tpu.memref_squeeze %dma_start3A_78 : memref<1x40x128xi32, #tpu.memory_space<vmem>> -> memref<40x128xi32, #tpu.memory_space<vmem>>
        %dma_start3A_80 = arith.constant 0 : i32
        %dma_start3A_81 = tpu.memref_slice %arg3[%run_scoped3A, %multiple_of3A, %dma_start3A_80] : memref<2x2500x128xi32, #tpu.memory_space<hbm>> -> memref<1x40x128xi32, #tpu.memory_space<hbm>>
        %dma_start3A_82 = tpu.memref_squeeze %dma_start3A_81 : memref<1x40x128xi32, #tpu.memory_space<hbm>> -> memref<40x128xi32, #tpu.memory_space<hbm>>
        %dma_start3A_83 = arith.constant 0 : i32
        %dma_start3A_84 = arith.constant 0 : i32
        %dma_start3A_85 = tpu.memref_slice %arg5[%run_scoped3A_32, %dma_start3A_83, %dma_start3A_84] : memref<2x40x128xi32, #tpu.memory_space<vmem>> -> memref<1x40x128xi32, #tpu.memory_space<vmem>>
        %dma_start3A_86 = tpu.memref_squeeze %dma_start3A_85 : memref<1x40x128xi32, #tpu.memory_space<vmem>> -> memref<40x128xi32, #tpu.memory_space<vmem>>
        %dma_start3A_87 = arith.constant 0 : i32
        %dma_start3A_88 = tpu.memref_slice %arg3[%run_scoped3A, %multiple_of3A, %dma_start3A_87] : memref<2x2500x128xi32, #tpu.memory_space<hbm>> -> memref<1x40x128xi32, #tpu.memory_space<hbm>>
        %dma_start3A_89 = tpu.memref_squeeze %dma_start3A_88 : memref<1x40x128xi32, #tpu.memory_space<hbm>> -> memref<40x128xi32, #tpu.memory_space<hbm>>
        tpu.enqueue_dma source(%dma_start3A_89 : memref<40x128xi32, #tpu.memory_space<hbm>>) target(%dma_start3A_86 : memref<40x128xi32, #tpu.memory_space<vmem>>) target_semaphore(%run_scoped3A_75 : memref<!tpu.dma_semaphore, #tpu.memory_space<semaphore_mem>>)
        %dma_wait3A = arith.constant 0 : i32
        %dma_wait3A_90 = arith.constant 0 : i32
        %dma_wait3A_91 = tpu.memref_slice %arg5[%run_scoped3A_32, %dma_wait3A, %dma_wait3A_90] : memref<2x40x128xi32, #tpu.memory_space<vmem>> -> memref<1x40x128xi32, #tpu.memory_space<vmem>>
        %dma_wait3A_92 = tpu.memref_squeeze %dma_wait3A_91 : memref<1x40x128xi32, #tpu.memory_space<vmem>> -> memref<40x128xi32, #tpu.memory_space<vmem>>
        %dma_wait3A_93 = arith.constant 0 : i32
        %dma_wait3A_94 = tpu.memref_slice %arg3[%run_scoped3A, %multiple_of3A, %dma_wait3A_93] : memref<2x2500x128xi32, #tpu.memory_space<hbm>> -> memref<1x40x128xi32, #tpu.memory_space<hbm>>
        %dma_wait3A_95 = tpu.memref_squeeze %dma_wait3A_94 : memref<1x40x128xi32, #tpu.memory_space<hbm>> -> memref<40x128xi32, #tpu.memory_space<hbm>>
        %dma_wait3A_96 = arith.constant 0 : i32
        %dma_wait3A_97 = arith.constant 0 : i32
        %dma_wait3A_98 = tpu.memref_slice %arg5[%run_scoped3A_32, %dma_wait3A_96, %dma_wait3A_97] : memref<2x40x128xi32, #tpu.memory_space<vmem>> -> memref<1x40x128xi32, #tpu.memory_space<vmem>>
        %dma_wait3A_99 = tpu.memref_squeeze %dma_wait3A_98 : memref<1x40x128xi32, #tpu.memory_space<vmem>> -> memref<40x128xi32, #tpu.memory_space<vmem>>
        %dma_wait3A_100 = arith.constant 0 : i32
        %dma_wait3A_101 = tpu.memref_slice %arg3[%run_scoped3A, %multiple_of3A, %dma_wait3A_100] : memref<2x2500x128xi32, #tpu.memory_space<hbm>> -> memref<1x40x128xi32, #tpu.memory_space<hbm>>
        %dma_wait3A_102 = tpu.memref_squeeze %dma_wait3A_101 : memref<1x40x128xi32, #tpu.memory_space<hbm>> -> memref<40x128xi32, #tpu.memory_space<hbm>>
        tpu.wait_dma2 semaphore(%run_scoped3A_75 : memref<!tpu.dma_semaphore, #tpu.memory_space<semaphore_mem>>) src(%dma_wait3A_102 : memref<40x128xi32, #tpu.memory_space<hbm>>) dst(%dma_wait3A_99 : memref<40x128xi32, #tpu.memory_space<vmem>>)
        tpu.yield
      }) : () -> ()
      %run_scoped3A_33 = arith.constant 0 : i32
      %run_scoped3A_34 = arith.constant 1 : i32
      "tpu.region"() ({
        %run_scoped3A_75 = tpu.sem_alloc : memref<!tpu.dma_semaphore, #tpu.memory_space<semaphore_mem>>
        %dma_start3A_76 = arith.constant 0 : i32
        %dma_start3A_77 = arith.constant 0 : i32
        %dma_start3A_78 = tpu.memref_slice %arg5[%run_scoped3A_34, %dma_start3A_76, %dma_start3A_77] : memref<2x40x128xi32, #tpu.memory_space<vmem>> -> memref<1x40x128xi32, #tpu.memory_space<vmem>>
        %dma_start3A_79 = tpu.memref_squeeze %dma_start3A_78 : memref<1x40x128xi32, #tpu.memory_space<vmem>> -> memref<40x128xi32, #tpu.memory_space<vmem>>
        %dma_start3A_80 = arith.constant 0 : i32
        %dma_start3A_81 = tpu.memref_slice %arg3[%run_scoped3A_33, %multiple_of3A, %dma_start3A_80] : memref<2x2500x128xi32, #tpu.memory_space<hbm>> -> memref<1x40x128xi32, #tpu.memory_space<hbm>>
        %dma_start3A_82 = tpu.memref_squeeze %dma_start3A_81 : memref<1x40x128xi32, #tpu.memory_space<hbm>> -> memref<40x128xi32, #tpu.memory_space<hbm>>
        %dma_start3A_83 = arith.constant 0 : i32
        %dma_start3A_84 = arith.constant 0 : i32
        %dma_start3A_85 = tpu.memref_slice %arg5[%run_scoped3A_34, %dma_start3A_83, %dma_start3A_84] : memref<2x40x128xi32, #tpu.memory_space<vmem>> -> memref<1x40x128xi32, #tpu.memory_space<vmem>>
        %dma_start3A_86 = tpu.memref_squeeze %dma_start3A_85 : memref<1x40x128xi32, #tpu.memory_space<vmem>> -> memref<40x128xi32, #tpu.memory_space<vmem>>
        %dma_start3A_87 = arith.constant 0 : i32
        %dma_start3A_88 = tpu.memref_slice %arg3[%run_scoped3A_33, %multiple_of3A, %dma_start3A_87] : memref<2x2500x128xi32, #tpu.memory_space<hbm>> -> memref<1x40x128xi32, #tpu.memory_space<hbm>>
        %dma_start3A_89 = tpu.memref_squeeze %dma_start3A_88 : memref<1x40x128xi32, #tpu.memory_space<hbm>> -> memref<40x128xi32, #tpu.memory_space<hbm>>
        tpu.enqueue_dma source(%dma_start3A_89 : memref<40x128xi32, #tpu.memory_space<hbm>>) target(%dma_start3A_86 : memref<40x128xi32, #tpu.memory_space<vmem>>) target_semaphore(%run_scoped3A_75 : memref<!tpu.dma_semaphore, #tpu.memory_space<semaphore_mem>>)
        %dma_wait3A = arith.constant 0 : i32
        %dma_wait3A_90 = arith.constant 0 : i32
        %dma_wait3A_91 = tpu.memref_slice %arg5[%run_scoped3A_34, %dma_wait3A, %dma_wait3A_90] : memref<2x40x128xi32, #tpu.memory_space<vmem>> -> memref<1x40x128xi32, #tpu.memory_space<vmem>>
        %dma_wait3A_92 = tpu.memref_squeeze %dma_wait3A_91 : memref<1x40x128xi32, #tpu.memory_space<vmem>> -> memref<40x128xi32, #tpu.memory_space<vmem>>
        %dma_wait3A_93 = arith.constant 0 : i32
        %dma_wait3A_94 = tpu.memref_slice %arg3[%run_scoped3A_33, %multiple_of3A, %dma_wait3A_93] : memref<2x2500x128xi32, #tpu.memory_space<hbm>> -> memref<1x40x128xi32, #tpu.memory_space<hbm>>
        %dma_wait3A_95 = tpu.memref_squeeze %dma_wait3A_94 : memref<1x40x128xi32, #tpu.memory_space<hbm>> -> memref<40x128xi32, #tpu.memory_space<hbm>>
        %dma_wait3A_96 = arith.constant 0 : i32
        %dma_wait3A_97 = arith.constant 0 : i32
        %dma_wait3A_98 = tpu.memref_slice %arg5[%run_scoped3A_34, %dma_wait3A_96, %dma_wait3A_97] : memref<2x40x128xi32, #tpu.memory_space<vmem>> -> memref<1x40x128xi32, #tpu.memory_space<vmem>>
        %dma_wait3A_99 = tpu.memref_squeeze %dma_wait3A_98 : memref<1x40x128xi32, #tpu.memory_space<vmem>> -> memref<40x128xi32, #tpu.memory_space<vmem>>
        %dma_wait3A_100 = arith.constant 0 : i32
        %dma_wait3A_101 = tpu.memref_slice %arg3[%run_scoped3A_33, %multiple_of3A, %dma_wait3A_100] : memref<2x2500x128xi32, #tpu.memory_space<hbm>> -> memref<1x40x128xi32, #tpu.memory_space<hbm>>
        %dma_wait3A_102 = tpu.memref_squeeze %dma_wait3A_101 : memref<1x40x128xi32, #tpu.memory_space<hbm>> -> memref<40x128xi32, #tpu.memory_space<hbm>>
        tpu.wait_dma2 semaphore(%run_scoped3A_75 : memref<!tpu.dma_semaphore, #tpu.memory_space<semaphore_mem>>) src(%dma_wait3A_102 : memref<40x128xi32, #tpu.memory_space<hbm>>) dst(%dma_wait3A_99 : memref<40x128xi32, #tpu.memory_space<vmem>>)
        tpu.yield
      }) : () -> ()
      %dma_start3A = arith.constant 0 : i32
      %dma_start3A_35 = arith.constant 0 : i32
      %dma_start3A_36 = arith.constant 0 : i32
      %dma_start3A_37 = arith.constant 0 : i32
      %dma_start3A_38 = tpu.memref_slice %arg6[%dma_start3A_36, %dma_start3A_37] : memref<256x128xf32, #tpu.memory_space<vmem>> -> memref<128x128xf32, #tpu.memory_space<vmem>>
      %dma_start3A_39 = arith.constant 0 : i32
      %dma_start3A_40 = tpu.memref_slice %arg5[%dma_start3A, %dma_start3A_35, %dma_start3A_39] : memref<2x40x128xi32, #tpu.memory_space<vmem>> -> memref<1x1x128xi32, #tpu.memory_space<vmem>>
      %dma_start3A_41 = tpu.memref_squeeze %dma_start3A_40 : memref<1x1x128xi32, #tpu.memory_space<vmem>> -> memref<128xi32, #tpu.memory_space<vmem>>
      %dma_start3A_42 = arith.constant 0 : i32
      %dma_start3A_43 = arith.constant 0 : i32
      %dma_start3A_44 = tpu.memref_slice %arg2[%dma_start3A_42, %dma_start3A_43] : memref<10000x128xf32, #tpu.memory_space<hbm>> -> memref<10000x128xf32, #tpu.memory_space<hbm>>
      tpu.enqueue_indirect_dma source(%dma_start3A_44 : memref<10000x128xf32, #tpu.memory_space<hbm>>) target(%dma_start3A_38 : memref<128x128xf32, #tpu.memory_space<vmem>>) offsets(%dma_start3A_41 : memref<128xi32, #tpu.memory_space<vmem>>) semaphore(%arg8 : memref<!tpu.dma_semaphore, #tpu.memory_space<semaphore_mem>>)
      %scan3A_45 = arith.constant 0 : i32
      %scan3A_46 = arith.constant 0 : i32
      %scan3A_47 = arith.constant 20 : i32
      %scan3A_48 = arith.addi %scan3A_46, %scan3A_47 : i32
      %scan3A_49 = arith.constant 1 : i32
      scf.for %scan3A_75 = %scan3A_46 to %scan3A_48 step %scan3A_49  : i32 {
        %mul3A_76 = arith.constant 2 : i32
        %mul3A_77 = arith.muli %mul3A_76, %scan3A_75 : i32
        %add3A_78 = arith.constant 0 : i32
        %add3A_79 = arith.addi %mul3A_77, %add3A_78 : i32
        %add3A_80 = arith.constant 1 : i32
        %add3A_81 = arith.addi %add3A_79, %add3A_80 : i32
        %lt3A_82 = arith.constant 40 : i32
        %lt3A_83 = arith.cmpi slt, %add3A_81, %lt3A_82 : i32
        %convert_element_type3A_84 = arith.extui %lt3A_83 : i1 to i32
        %cond3A_85 = arith.constant 0 : i32
        %cond3A_86 = arith.cmpi ne, %convert_element_type3A_84, %cond3A_85 : i32
        scf.if %cond3A_86 {
          %add3A_119 = arith.constant 1 : i32
          %add3A_120 = arith.addi %add3A_79, %add3A_119 : i32
          %dma_start3A_121 = arith.constant 0 : i32
          %dma_start3A_122 = arith.constant 128 : i32
          %dma_start3A_123 = arith.constant 0 : i32
          %dma_start3A_124 = tpu.memref_slice %arg6[%dma_start3A_122, %dma_start3A_123] : memref<256x128xf32, #tpu.memory_space<vmem>> -> memref<128x128xf32, #tpu.memory_space<vmem>>
          %dma_start3A_125 = arith.constant 0 : i32
          %dma_start3A_126 = tpu.memref_slice %arg5[%dma_start3A_121, %add3A_120, %dma_start3A_125] : memref<2x40x128xi32, #tpu.memory_space<vmem>> -> memref<1x1x128xi32, #tpu.memory_space<vmem>>
          %dma_start3A_127 = tpu.memref_squeeze %dma_start3A_126 : memref<1x1x128xi32, #tpu.memory_space<vmem>> -> memref<128xi32, #tpu.memory_space<vmem>>
          %dma_start3A_128 = arith.constant 0 : i32
          %dma_start3A_129 = arith.constant 0 : i32
          %dma_start3A_130 = tpu.memref_slice %arg2[%dma_start3A_128, %dma_start3A_129] : memref<10000x128xf32, #tpu.memory_space<hbm>> -> memref<10000x128xf32, #tpu.memory_space<hbm>>
          tpu.enqueue_indirect_dma source(%dma_start3A_130 : memref<10000x128xf32, #tpu.memory_space<hbm>>) target(%dma_start3A_124 : memref<128x128xf32, #tpu.memory_space<vmem>>) offsets(%dma_start3A_127 : memref<128xi32, #tpu.memory_space<vmem>>) semaphore(%arg9 : memref<!tpu.dma_semaphore, #tpu.memory_space<semaphore_mem>>)
        } else {
        }
        %dma_wait3A = arith.constant 0 : i32
        %dma_wait3A_87 = arith.constant 0 : i32
        %dma_wait3A_88 = arith.constant 0 : i32
        %dma_wait3A_89 = tpu.memref_slice %arg6[%dma_wait3A_87, %dma_wait3A_88] : memref<256x128xf32, #tpu.memory_space<vmem>> -> memref<128x128xf32, #tpu.memory_space<vmem>>
        %dma_wait3A_90 = arith.constant 0 : i32
        %dma_wait3A_91 = tpu.memref_slice %arg5[%dma_wait3A, %add3A_79, %dma_wait3A_90] : memref<2x40x128xi32, #tpu.memory_space<vmem>> -> memref<1x1x128xi32, #tpu.memory_space<vmem>>
        %dma_wait3A_92 = tpu.memref_squeeze %dma_wait3A_91 : memref<1x1x128xi32, #tpu.memory_space<vmem>> -> memref<128xi32, #tpu.memory_space<vmem>>
        %dma_wait3A_93 = arith.constant 0 : i32
        %dma_wait3A_94 = arith.constant 0 : i32
        %dma_wait3A_95 = tpu.memref_slice %arg2[%dma_wait3A_93, %dma_wait3A_94] : memref<10000x128xf32, #tpu.memory_space<hbm>> -> memref<10000x128xf32, #tpu.memory_space<hbm>>
        tpu.wait_indirect_dma semaphore(%arg8 : memref<!tpu.dma_semaphore, #tpu.memory_space<semaphore_mem>>) src(%dma_wait3A_95 : memref<10000x128xf32, #tpu.memory_space<hbm>>) dst(%dma_wait3A_89 : memref<128x128xf32, #tpu.memory_space<vmem>>)
        %run_scoped3A_96 = arith.constant 1 : i32
        "tpu.region"() ({
          %run_scoped3A_119 = tpu.sem_alloc : memref<!tpu.dma_semaphore, #tpu.memory_space<semaphore_mem>>
          %dma_start3A_120 = arith.constant 0 : i32
          %dma_start3A_121 = arith.constant 0 : i32
          %dma_start3A_122 = tpu.memref_slice %arg6[%dma_start3A_120, %dma_start3A_121] : memref<256x128xf32, #tpu.memory_space<vmem>> -> memref<128x128xf32, #tpu.memory_space<vmem>>
          %dma_start3A_123 = arith.constant 0 : i32
          %dma_start3A_124 = tpu.memref_slice %arg5[%run_scoped3A_96, %add3A_79, %dma_start3A_123] : memref<2x40x128xi32, #tpu.memory_space<vmem>> -> memref<1x1x128xi32, #tpu.memory_space<vmem>>
          %dma_start3A_125 = tpu.memref_squeeze %dma_start3A_124 : memref<1x1x128xi32, #tpu.memory_space<vmem>> -> memref<128xi32, #tpu.memory_space<vmem>>
          %dma_start3A_126 = arith.constant 0 : i32
          %dma_start3A_127 = arith.constant 0 : i32
          %dma_start3A_128 = tpu.memref_slice %arg7[%dma_start3A_126, %dma_start3A_127] : memref<10112x128xf32, #tpu.memory_space<vmem_shared>> -> memref<10112x128xf32, #tpu.memory_space<vmem_shared>>
          tpu.enqueue_indirect_dma source(%dma_start3A_122 : memref<128x128xf32, #tpu.memory_space<vmem>>) target(%dma_start3A_128 : memref<10112x128xf32, #tpu.memory_space<vmem_shared>>) offsets(%dma_start3A_125 : memref<128xi32, #tpu.memory_space<vmem>>) semaphore(%run_scoped3A_119 : memref<!tpu.dma_semaphore, #tpu.memory_space<semaphore_mem>>) {add = true}
          %dma_wait3A_129 = arith.constant 0 : i32
          %dma_wait3A_130 = arith.constant 0 : i32
          %dma_wait3A_131 = tpu.memref_slice %arg6[%dma_wait3A_129, %dma_wait3A_130] : memref<256x128xf32, #tpu.memory_space<vmem>> -> memref<128x128xf32, #tpu.memory_space<vmem>>
          %dma_wait3A_132 = arith.constant 0 : i32
          %dma_wait3A_133 = tpu.memref_slice %arg5[%run_scoped3A_96, %add3A_79, %dma_wait3A_132] : memref<2x40x128xi32, #tpu.memory_space<vmem>> -> memref<1x1x128xi32, #tpu.memory_space<vmem>>
          %dma_wait3A_134 = tpu.memref_squeeze %dma_wait3A_133 : memref<1x1x128xi32, #tpu.memory_space<vmem>> -> memref<128xi32, #tpu.memory_space<vmem>>
          %dma_wait3A_135 = arith.constant 0 : i32
          %dma_wait3A_136 = arith.constant 0 : i32
          %dma_wait3A_137 = tpu.memref_slice %arg7[%dma_wait3A_135, %dma_wait3A_136] : memref<10112x128xf32, #tpu.memory_space<vmem_shared>> -> memref<10112x128xf32, #tpu.memory_space<vmem_shared>>
          tpu.wait_indirect_dma semaphore(%run_scoped3A_119 : memref<!tpu.dma_semaphore, #tpu.memory_space<semaphore_mem>>) src(%dma_wait3A_131 : memref<128x128xf32, #tpu.memory_space<vmem>>) dst(%dma_wait3A_137 : memref<10112x128xf32, #tpu.memory_space<vmem_shared>>)
          tpu.yield
        }) : () -> ()
        %mul3A_97 = arith.constant 2 : i32
        %mul3A_98 = arith.muli %mul3A_97, %scan3A_75 : i32
        %add3A_99 = arith.constant 1 : i32
        %add3A_100 = arith.addi %mul3A_98, %add3A_99 : i32
        %add3A_101 = arith.constant 1 : i32
        %add3A_102 = arith.addi %add3A_100, %add3A_101 : i32
        %lt3A_103 = arith.constant 40 : i32
        %lt3A_104 = arith.cmpi slt, %add3A_102, %lt3A_103 : i32
        %convert_element_type3A_105 = arith.extui %lt3A_104 : i1 to i32
        %cond3A_106 = arith.constant 0 : i32
        %cond3A_107 = arith.cmpi ne, %convert_element_type3A_105, %cond3A_106 : i32
        scf.if %cond3A_107 {
          %add3A_119 = arith.constant 1 : i32
          %add3A_120 = arith.addi %add3A_100, %add3A_119 : i32
          %dma_start3A_121 = arith.constant 0 : i32
          %dma_start3A_122 = arith.constant 0 : i32
          %dma_start3A_123 = arith.constant 0 : i32
          %dma_start3A_124 = tpu.memref_slice %arg6[%dma_start3A_122, %dma_start3A_123] : memref<256x128xf32, #tpu.memory_space<vmem>> -> memref<128x128xf32, #tpu.memory_space<vmem>>
          %dma_start3A_125 = arith.constant 0 : i32
          %dma_start3A_126 = tpu.memref_slice %arg5[%dma_start3A_121, %add3A_120, %dma_start3A_125] : memref<2x40x128xi32, #tpu.memory_space<vmem>> -> memref<1x1x128xi32, #tpu.memory_space<vmem>>
          %dma_start3A_127 = tpu.memref_squeeze %dma_start3A_126 : memref<1x1x128xi32, #tpu.memory_space<vmem>> -> memref<128xi32, #tpu.memory_space<vmem>>
          %dma_start3A_128 = arith.constant 0 : i32
          %dma_start3A_129 = arith.constant 0 : i32
          %dma_start3A_130 = tpu.memref_slice %arg2[%dma_start3A_128, %dma_start3A_129] : memref<10000x128xf32, #tpu.memory_space<hbm>> -> memref<10000x128xf32, #tpu.memory_space<hbm>>
          tpu.enqueue_indirect_dma source(%dma_start3A_130 : memref<10000x128xf32, #tpu.memory_space<hbm>>) target(%dma_start3A_124 : memref<128x128xf32, #tpu.memory_space<vmem>>) offsets(%dma_start3A_127 : memref<128xi32, #tpu.memory_space<vmem>>) semaphore(%arg8 : memref<!tpu.dma_semaphore, #tpu.memory_space<semaphore_mem>>)
        } else {
        }
        %dma_wait3A_108 = arith.constant 0 : i32
        %dma_wait3A_109 = arith.constant 128 : i32
        %dma_wait3A_110 = arith.constant 0 : i32
        %dma_wait3A_111 = tpu.memref_slice %arg6[%dma_wait3A_109, %dma_wait3A_110] : memref<256x128xf32, #tpu.memory_space<vmem>> -> memref<128x128xf32, #tpu.memory_space<vmem>>
        %dma_wait3A_112 = arith.constant 0 : i32
        %dma_wait3A_113 = tpu.memref_slice %arg5[%dma_wait3A_108, %add3A_100, %dma_wait3A_112] : memref<2x40x128xi32, #tpu.memory_space<vmem>> -> memref<1x1x128xi32, #tpu.memory_space<vmem>>
        %dma_wait3A_114 = tpu.memref_squeeze %dma_wait3A_113 : memref<1x1x128xi32, #tpu.memory_space<vmem>> -> memref<128xi32, #tpu.memory_space<vmem>>
        %dma_wait3A_115 = arith.constant 0 : i32
        %dma_wait3A_116 = arith.constant 0 : i32
        %dma_wait3A_117 = tpu.memref_slice %arg2[%dma_wait3A_115, %dma_wait3A_116] : memref<10000x128xf32, #tpu.memory_space<hbm>> -> memref<10000x128xf32, #tpu.memory_space<hbm>>
        tpu.wait_indirect_dma semaphore(%arg9 : memref<!tpu.dma_semaphore, #tpu.memory_space<semaphore_mem>>) src(%dma_wait3A_117 : memref<10000x128xf32, #tpu.memory_space<hbm>>) dst(%dma_wait3A_111 : memref<128x128xf32, #tpu.memory_space<vmem>>)
        %run_scoped3A_118 = arith.constant 1 : i32
        "tpu.region"() ({
          %run_scoped3A_119 = tpu.sem_alloc : memref<!tpu.dma_semaphore, #tpu.memory_space<semaphore_mem>>
          %dma_start3A_120 = arith.constant 128 : i32
          %dma_start3A_121 = arith.constant 0 : i32
          %dma_start3A_122 = tpu.memref_slice %arg6[%dma_start3A_120, %dma_start3A_121] : memref<256x128xf32, #tpu.memory_space<vmem>> -> memref<128x128xf32, #tpu.memory_space<vmem>>
          %dma_start3A_123 = arith.constant 0 : i32
          %dma_start3A_124 = tpu.memref_slice %arg5[%run_scoped3A_118, %add3A_100, %dma_start3A_123] : memref<2x40x128xi32, #tpu.memory_space<vmem>> -> memref<1x1x128xi32, #tpu.memory_space<vmem>>
          %dma_start3A_125 = tpu.memref_squeeze %dma_start3A_124 : memref<1x1x128xi32, #tpu.memory_space<vmem>> -> memref<128xi32, #tpu.memory_space<vmem>>
          %dma_start3A_126 = arith.constant 0 : i32
          %dma_start3A_127 = arith.constant 0 : i32
          %dma_start3A_128 = tpu.memref_slice %arg7[%dma_start3A_126, %dma_start3A_127] : memref<10112x128xf32, #tpu.memory_space<vmem_shared>> -> memref<10112x128xf32, #tpu.memory_space<vmem_shared>>
          tpu.enqueue_indirect_dma source(%dma_start3A_122 : memref<128x128xf32, #tpu.memory_space<vmem>>) target(%dma_start3A_128 : memref<10112x128xf32, #tpu.memory_space<vmem_shared>>) offsets(%dma_start3A_125 : memref<128xi32, #tpu.memory_space<vmem>>) semaphore(%run_scoped3A_119 : memref<!tpu.dma_semaphore, #tpu.memory_space<semaphore_mem>>) {add = true}
          %dma_wait3A_129 = arith.constant 128 : i32
          %dma_wait3A_130 = arith.constant 0 : i32
          %dma_wait3A_131 = tpu.memref_slice %arg6[%dma_wait3A_129, %dma_wait3A_130] : memref<256x128xf32, #tpu.memory_space<vmem>> -> memref<128x128xf32, #tpu.memory_space<vmem>>
          %dma_wait3A_132 = arith.constant 0 : i32
          %dma_wait3A_133 = tpu.memref_slice %arg5[%run_scoped3A_118, %add3A_100, %dma_wait3A_132] : memref<2x40x128xi32, #tpu.memory_space<vmem>> -> memref<1x1x128xi32, #tpu.memory_space<vmem>>
          %dma_wait3A_134 = tpu.memref_squeeze %dma_wait3A_133 : memref<1x1x128xi32, #tpu.memory_space<vmem>> -> memref<128xi32, #tpu.memory_space<vmem>>
          %dma_wait3A_135 = arith.constant 0 : i32
          %dma_wait3A_136 = arith.constant 0 : i32
          %dma_wait3A_137 = tpu.memref_slice %arg7[%dma_wait3A_135, %dma_wait3A_136] : memref<10112x128xf32, #tpu.memory_space<vmem_shared>> -> memref<10112x128xf32, #tpu.memory_space<vmem_shared>>
          tpu.wait_indirect_dma semaphore(%run_scoped3A_119 : memref<!tpu.dma_semaphore, #tpu.memory_space<semaphore_mem>>) src(%dma_wait3A_131 : memref<128x128xf32, #tpu.memory_space<vmem>>) dst(%dma_wait3A_137 : memref<10112x128xf32, #tpu.memory_space<vmem_shared>>)
          tpu.yield
        }) : () -> ()
      }
      %scan3A_50 = arith.constant 20 : i32
      %add3A_51 = arith.constant 40 : i32
      %add3A_52 = arith.addi %mul3A_29, %add3A_51 : i32
      %multiple_of3A_53 = tpu.assume_multiple %add3A_52, 8 : i32
      %run_scoped3A_54 = arith.constant 1 : i32
      %run_scoped3A_55 = arith.constant 0 : i32
      "tpu.region"() ({
        %run_scoped3A_75 = tpu.sem_alloc : memref<!tpu.dma_semaphore, #tpu.memory_space<semaphore_mem>>
        %dma_start3A_76 = arith.constant 0 : i32
        %dma_start3A_77 = arith.constant 0 : i32
        %dma_start3A_78 = tpu.memref_slice %arg5[%run_scoped3A_55, %dma_start3A_76, %dma_start3A_77] : memref<2x40x128xi32, #tpu.memory_space<vmem>> -> memref<1x40x128xi32, #tpu.memory_space<vmem>>
        %dma_start3A_79 = tpu.memref_squeeze %dma_start3A_78 : memref<1x40x128xi32, #tpu.memory_space<vmem>> -> memref<40x128xi32, #tpu.memory_space<vmem>>
        %dma_start3A_80 = arith.constant 0 : i32
        %dma_start3A_81 = tpu.memref_slice %arg3[%run_scoped3A_54, %multiple_of3A_53, %dma_start3A_80] : memref<2x2500x128xi32, #tpu.memory_space<hbm>> -> memref<1x40x128xi32, #tpu.memory_space<hbm>>
        %dma_start3A_82 = tpu.memref_squeeze %dma_start3A_81 : memref<1x40x128xi32, #tpu.memory_space<hbm>> -> memref<40x128xi32, #tpu.memory_space<hbm>>
        %dma_start3A_83 = arith.constant 0 : i32
        %dma_start3A_84 = arith.constant 0 : i32
        %dma_start3A_85 = tpu.memref_slice %arg5[%run_scoped3A_55, %dma_start3A_83, %dma_start3A_84] : memref<2x40x128xi32, #tpu.memory_space<vmem>> -> memref<1x40x128xi32, #tpu.memory_space<vmem>>
        %dma_start3A_86 = tpu.memref_squeeze %dma_start3A_85 : memref<1x40x128xi32, #tpu.memory_space<vmem>> -> memref<40x128xi32, #tpu.memory_space<vmem>>
        %dma_start3A_87 = arith.constant 0 : i32
        %dma_start3A_88 = tpu.memref_slice %arg3[%run_scoped3A_54, %multiple_of3A_53, %dma_start3A_87] : memref<2x2500x128xi32, #tpu.memory_space<hbm>> -> memref<1x40x128xi32, #tpu.memory_space<hbm>>
        %dma_start3A_89 = tpu.memref_squeeze %dma_start3A_88 : memref<1x40x128xi32, #tpu.memory_space<hbm>> -> memref<40x128xi32, #tpu.memory_space<hbm>>
        tpu.enqueue_dma source(%dma_start3A_89 : memref<40x128xi32, #tpu.memory_space<hbm>>) target(%dma_start3A_86 : memref<40x128xi32, #tpu.memory_space<vmem>>) target_semaphore(%run_scoped3A_75 : memref<!tpu.dma_semaphore, #tpu.memory_space<semaphore_mem>>)
        %dma_wait3A = arith.constant 0 : i32
        %dma_wait3A_90 = arith.constant 0 : i32
        %dma_wait3A_91 = tpu.memref_slice %arg5[%run_scoped3A_55, %dma_wait3A, %dma_wait3A_90] : memref<2x40x128xi32, #tpu.memory_space<vmem>> -> memref<1x40x128xi32, #tpu.memory_space<vmem>>
        %dma_wait3A_92 = tpu.memref_squeeze %dma_wait3A_91 : memref<1x40x128xi32, #tpu.memory_space<vmem>> -> memref<40x128xi32, #tpu.memory_space<vmem>>
        %dma_wait3A_93 = arith.constant 0 : i32
        %dma_wait3A_94 = tpu.memref_slice %arg3[%run_scoped3A_54, %multiple_of3A_53, %dma_wait3A_93] : memref<2x2500x128xi32, #tpu.memory_space<hbm>> -> memref<1x40x128xi32, #tpu.memory_space<hbm>>
        %dma_wait3A_95 = tpu.memref_squeeze %dma_wait3A_94 : memref<1x40x128xi32, #tpu.memory_space<hbm>> -> memref<40x128xi32, #tpu.memory_space<hbm>>
        %dma_wait3A_96 = arith.constant 0 : i32
        %dma_wait3A_97 = arith.constant 0 : i32
        %dma_wait3A_98 = tpu.memref_slice %arg5[%run_scoped3A_55, %dma_wait3A_96, %dma_wait3A_97] : memref<2x40x128xi32, #tpu.memory_space<vmem>> -> memref<1x40x128xi32, #tpu.memory_space<vmem>>
        %dma_wait3A_99 = tpu.memref_squeeze %dma_wait3A_98 : memref<1x40x128xi32, #tpu.memory_space<vmem>> -> memref<40x128xi32, #tpu.memory_space<vmem>>
        %dma_wait3A_100 = arith.constant 0 : i32
        %dma_wait3A_101 = tpu.memref_slice %arg3[%run_scoped3A_54, %multiple_of3A_53, %dma_wait3A_100] : memref<2x2500x128xi32, #tpu.memory_space<hbm>> -> memref<1x40x128xi32, #tpu.memory_space<hbm>>
        %dma_wait3A_102 = tpu.memref_squeeze %dma_wait3A_101 : memref<1x40x128xi32, #tpu.memory_space<hbm>> -> memref<40x128xi32, #tpu.memory_space<hbm>>
        tpu.wait_dma2 semaphore(%run_scoped3A_75 : memref<!tpu.dma_semaphore, #tpu.memory_space<semaphore_mem>>) src(%dma_wait3A_102 : memref<40x128xi32, #tpu.memory_space<hbm>>) dst(%dma_wait3A_99 : memref<40x128xi32, #tpu.memory_space<vmem>>)
        tpu.yield
      }) : () -> ()
      %run_scoped3A_56 = arith.constant 0 : i32
      %run_scoped3A_57 = arith.constant 1 : i32
      "tpu.region"() ({
        %run_scoped3A_75 = tpu.sem_alloc : memref<!tpu.dma_semaphore, #tpu.memory_space<semaphore_mem>>
        %dma_start3A_76 = arith.constant 0 : i32
        %dma_start3A_77 = arith.constant 0 : i32
        %dma_start3A_78 = tpu.memref_slice %arg5[%run_scoped3A_57, %dma_start3A_76, %dma_start3A_77] : memref<2x40x128xi32, #tpu.memory_space<vmem>> -> memref<1x40x128xi32, #tpu.memory_space<vmem>>
        %dma_start3A_79 = tpu.memref_squeeze %dma_start3A_78 : memref<1x40x128xi32, #tpu.memory_space<vmem>> -> memref<40x128xi32, #tpu.memory_space<vmem>>
        %dma_start3A_80 = arith.constant 0 : i32
        %dma_start3A_81 = tpu.memref_slice %arg3[%run_scoped3A_56, %multiple_of3A_53, %dma_start3A_80] : memref<2x2500x128xi32, #tpu.memory_space<hbm>> -> memref<1x40x128xi32, #tpu.memory_space<hbm>>
        %dma_start3A_82 = tpu.memref_squeeze %dma_start3A_81 : memref<1x40x128xi32, #tpu.memory_space<hbm>> -> memref<40x128xi32, #tpu.memory_space<hbm>>
        %dma_start3A_83 = arith.constant 0 : i32
        %dma_start3A_84 = arith.constant 0 : i32
        %dma_start3A_85 = tpu.memref_slice %arg5[%run_scoped3A_57, %dma_start3A_83, %dma_start3A_84] : memref<2x40x128xi32, #tpu.memory_space<vmem>> -> memref<1x40x128xi32, #tpu.memory_space<vmem>>
        %dma_start3A_86 = tpu.memref_squeeze %dma_start3A_85 : memref<1x40x128xi32, #tpu.memory_space<vmem>> -> memref<40x128xi32, #tpu.memory_space<vmem>>
        %dma_start3A_87 = arith.constant 0 : i32
        %dma_start3A_88 = tpu.memref_slice %arg3[%run_scoped3A_56, %multiple_of3A_53, %dma_start3A_87] : memref<2x2500x128xi32, #tpu.memory_space<hbm>> -> memref<1x40x128xi32, #tpu.memory_space<hbm>>
        %dma_start3A_89 = tpu.memref_squeeze %dma_start3A_88 : memref<1x40x128xi32, #tpu.memory_space<hbm>> -> memref<40x128xi32, #tpu.memory_space<hbm>>
        tpu.enqueue_dma source(%dma_start3A_89 : memref<40x128xi32, #tpu.memory_space<hbm>>) target(%dma_start3A_86 : memref<40x128xi32, #tpu.memory_space<vmem>>) target_semaphore(%run_scoped3A_75 : memref<!tpu.dma_semaphore, #tpu.memory_space<semaphore_mem>>)
        %dma_wait3A = arith.constant 0 : i32
        %dma_wait3A_90 = arith.constant 0 : i32
        %dma_wait3A_91 = tpu.memref_slice %arg5[%run_scoped3A_57, %dma_wait3A, %dma_wait3A_90] : memref<2x40x128xi32, #tpu.memory_space<vmem>> -> memref<1x40x128xi32, #tpu.memory_space<vmem>>
        %dma_wait3A_92 = tpu.memref_squeeze %dma_wait3A_91 : memref<1x40x128xi32, #tpu.memory_space<vmem>> -> memref<40x128xi32, #tpu.memory_space<vmem>>
        %dma_wait3A_93 = arith.constant 0 : i32
        %dma_wait3A_94 = tpu.memref_slice %arg3[%run_scoped3A_56, %multiple_of3A_53, %dma_wait3A_93] : memref<2x2500x128xi32, #tpu.memory_space<hbm>> -> memref<1x40x128xi32, #tpu.memory_space<hbm>>
        %dma_wait3A_95 = tpu.memref_squeeze %dma_wait3A_94 : memref<1x40x128xi32, #tpu.memory_space<hbm>> -> memref<40x128xi32, #tpu.memory_space<hbm>>
        %dma_wait3A_96 = arith.constant 0 : i32
        %dma_wait3A_97 = arith.constant 0 : i32
        %dma_wait3A_98 = tpu.memref_slice %arg5[%run_scoped3A_57, %dma_wait3A_96, %dma_wait3A_97] : memref<2x40x128xi32, #tpu.memory_space<vmem>> -> memref<1x40x128xi32, #tpu.memory_space<vmem>>
        %dma_wait3A_99 = tpu.memref_squeeze %dma_wait3A_98 : memref<1x40x128xi32, #tpu.memory_space<vmem>> -> memref<40x128xi32, #tpu.memory_space<vmem>>
        %dma_wait3A_100 = arith.constant 0 : i32
        %dma_wait3A_101 = tpu.memref_slice %arg3[%run_scoped3A_56, %multiple_of3A_53, %dma_wait3A_100] : memref<2x2500x128xi32, #tpu.memory_space<hbm>> -> memref<1x40x128xi32, #tpu.memory_space<hbm>>
        %dma_wait3A_102 = tpu.memref_squeeze %dma_wait3A_101 : memref<1x40x128xi32, #tpu.memory_space<hbm>> -> memref<40x128xi32, #tpu.memory_space<hbm>>
        tpu.wait_dma2 semaphore(%run_scoped3A_75 : memref<!tpu.dma_semaphore, #tpu.memory_space<semaphore_mem>>) src(%dma_wait3A_102 : memref<40x128xi32, #tpu.memory_space<hbm>>) dst(%dma_wait3A_99 : memref<40x128xi32, #tpu.memory_space<vmem>>)
        tpu.yield
      }) : () -> ()
      %dma_start3A_58 = arith.constant 0 : i32
      %dma_start3A_59 = arith.constant 0 : i32
      %dma_start3A_60 = arith.constant 0 : i32
      %dma_start3A_61 = arith.constant 0 : i32
      %dma_start3A_62 = tpu.memref_slice %arg6[%dma_start3A_60, %dma_start3A_61] : memref<256x128xf32, #tpu.memory_space<vmem>> -> memref<128x128xf32, #tpu.memory_space<vmem>>
      %dma_start3A_63 = arith.constant 0 : i32
      %dma_start3A_64 = tpu.memref_slice %arg5[%dma_start3A_58, %dma_start3A_59, %dma_start3A_63] : memref<2x40x128xi32, #tpu.memory_space<vmem>> -> memref<1x1x128xi32, #tpu.memory_space<vmem>>
      %dma_start3A_65 = tpu.memref_squeeze %dma_start3A_64 : memref<1x1x128xi32, #tpu.memory_space<vmem>> -> memref<128xi32, #tpu.memory_space<vmem>>
      %dma_start3A_66 = arith.constant 0 : i32
      %dma_start3A_67 = arith.constant 0 : i32
      %dma_start3A_68 = tpu.memref_slice %arg2[%dma_start3A_66, %dma_start3A_67] : memref<10000x128xf32, #tpu.memory_space<hbm>> -> memref<10000x128xf32, #tpu.memory_space<hbm>>
      tpu.enqueue_indirect_dma source(%dma_start3A_68 : memref<10000x128xf32, #tpu.memory_space<hbm>>) target(%dma_start3A_62 : memref<128x128xf32, #tpu.memory_space<vmem>>) offsets(%dma_start3A_65 : memref<128xi32, #tpu.memory_space<vmem>>) semaphore(%arg8 : memref<!tpu.dma_semaphore, #tpu.memory_space<semaphore_mem>>)
      %scan3A_69 = arith.constant 0 : i32
      %scan3A_70 = arith.constant 0 : i32
      %scan3A_71 = arith.constant 20 : i32
      %scan3A_72 = arith.addi %scan3A_70, %scan3A_71 : i32
      %scan3A_73 = arith.constant 1 : i32
      scf.for %scan3A_75 = %scan3A_70 to %scan3A_72 step %scan3A_73  : i32 {
        %mul3A_76 = arith.constant 2 : i32
        %mul3A_77 = arith.muli %mul3A_76, %scan3A_75 : i32
        %add3A_78 = arith.constant 0 : i32
        %add3A_79 = arith.addi %mul3A_77, %add3A_78 : i32
        %add3A_80 = arith.constant 1 : i32
        %add3A_81 = arith.addi %add3A_79, %add3A_80 : i32
        %lt3A_82 = arith.constant 40 : i32
        %lt3A_83 = arith.cmpi slt, %add3A_81, %lt3A_82 : i32
        %convert_element_type3A_84 = arith.extui %lt3A_83 : i1 to i32
        %cond3A_85 = arith.constant 0 : i32
        %cond3A_86 = arith.cmpi ne, %convert_element_type3A_84, %cond3A_85 : i32
        scf.if %cond3A_86 {
          %add3A_119 = arith.constant 1 : i32
          %add3A_120 = arith.addi %add3A_79, %add3A_119 : i32
          %dma_start3A_121 = arith.constant 0 : i32
          %dma_start3A_122 = arith.constant 128 : i32
          %dma_start3A_123 = arith.constant 0 : i32
          %dma_start3A_124 = tpu.memref_slice %arg6[%dma_start3A_122, %dma_start3A_123] : memref<256x128xf32, #tpu.memory_space<vmem>> -> memref<128x128xf32, #tpu.memory_space<vmem>>
          %dma_start3A_125 = arith.constant 0 : i32
          %dma_start3A_126 = tpu.memref_slice %arg5[%dma_start3A_121, %add3A_120, %dma_start3A_125] : memref<2x40x128xi32, #tpu.memory_space<vmem>> -> memref<1x1x128xi32, #tpu.memory_space<vmem>>
          %dma_start3A_127 = tpu.memref_squeeze %dma_start3A_126 : memref<1x1x128xi32, #tpu.memory_space<vmem>> -> memref<128xi32, #tpu.memory_space<vmem>>
          %dma_start3A_128 = arith.constant 0 : i32
          %dma_start3A_129 = arith.constant 0 : i32
          %dma_start3A_130 = tpu.memref_slice %arg2[%dma_start3A_128, %dma_start3A_129] : memref<10000x128xf32, #tpu.memory_space<hbm>> -> memref<10000x128xf32, #tpu.memory_space<hbm>>
          tpu.enqueue_indirect_dma source(%dma_start3A_130 : memref<10000x128xf32, #tpu.memory_space<hbm>>) target(%dma_start3A_124 : memref<128x128xf32, #tpu.memory_space<vmem>>) offsets(%dma_start3A_127 : memref<128xi32, #tpu.memory_space<vmem>>) semaphore(%arg9 : memref<!tpu.dma_semaphore, #tpu.memory_space<semaphore_mem>>)
        } else {
        }
        %dma_wait3A = arith.constant 0 : i32
        %dma_wait3A_87 = arith.constant 0 : i32
        %dma_wait3A_88 = arith.constant 0 : i32
        %dma_wait3A_89 = tpu.memref_slice %arg6[%dma_wait3A_87, %dma_wait3A_88] : memref<256x128xf32, #tpu.memory_space<vmem>> -> memref<128x128xf32, #tpu.memory_space<vmem>>
        %dma_wait3A_90 = arith.constant 0 : i32
        %dma_wait3A_91 = tpu.memref_slice %arg5[%dma_wait3A, %add3A_79, %dma_wait3A_90] : memref<2x40x128xi32, #tpu.memory_space<vmem>> -> memref<1x1x128xi32, #tpu.memory_space<vmem>>
        %dma_wait3A_92 = tpu.memref_squeeze %dma_wait3A_91 : memref<1x1x128xi32, #tpu.memory_space<vmem>> -> memref<128xi32, #tpu.memory_space<vmem>>
        %dma_wait3A_93 = arith.constant 0 : i32
        %dma_wait3A_94 = arith.constant 0 : i32
        %dma_wait3A_95 = tpu.memref_slice %arg2[%dma_wait3A_93, %dma_wait3A_94] : memref<10000x128xf32, #tpu.memory_space<hbm>> -> memref<10000x128xf32, #tpu.memory_space<hbm>>
        tpu.wait_indirect_dma semaphore(%arg8 : memref<!tpu.dma_semaphore, #tpu.memory_space<semaphore_mem>>) src(%dma_wait3A_95 : memref<10000x128xf32, #tpu.memory_space<hbm>>) dst(%dma_wait3A_89 : memref<128x128xf32, #tpu.memory_space<vmem>>)
        %run_scoped3A_96 = arith.constant 1 : i32
        "tpu.region"() ({
          %run_scoped3A_119 = tpu.sem_alloc : memref<!tpu.dma_semaphore, #tpu.memory_space<semaphore_mem>>
          %dma_start3A_120 = arith.constant 0 : i32
          %dma_start3A_121 = arith.constant 0 : i32
          %dma_start3A_122 = tpu.memref_slice %arg6[%dma_start3A_120, %dma_start3A_121] : memref<256x128xf32, #tpu.memory_space<vmem>> -> memref<128x128xf32, #tpu.memory_space<vmem>>
          %dma_start3A_123 = arith.constant 0 : i32
          %dma_start3A_124 = tpu.memref_slice %arg5[%run_scoped3A_96, %add3A_79, %dma_start3A_123] : memref<2x40x128xi32, #tpu.memory_space<vmem>> -> memref<1x1x128xi32, #tpu.memory_space<vmem>>
          %dma_start3A_125 = tpu.memref_squeeze %dma_start3A_124 : memref<1x1x128xi32, #tpu.memory_space<vmem>> -> memref<128xi32, #tpu.memory_space<vmem>>
          %dma_start3A_126 = arith.constant 0 : i32
          %dma_start3A_127 = arith.constant 0 : i32
          %dma_start3A_128 = tpu.memref_slice %arg7[%dma_start3A_126, %dma_start3A_127] : memref<10112x128xf32, #tpu.memory_space<vmem_shared>> -> memref<10112x128xf32, #tpu.memory_space<vmem_shared>>
          tpu.enqueue_indirect_dma source(%dma_start3A_122 : memref<128x128xf32, #tpu.memory_space<vmem>>) target(%dma_start3A_128 : memref<10112x128xf32, #tpu.memory_space<vmem_shared>>) offsets(%dma_start3A_125 : memref<128xi32, #tpu.memory_space<vmem>>) semaphore(%run_scoped3A_119 : memref<!tpu.dma_semaphore, #tpu.memory_space<semaphore_mem>>) {add = true}
          %dma_wait3A_129 = arith.constant 0 : i32
          %dma_wait3A_130 = arith.constant 0 : i32
          %dma_wait3A_131 = tpu.memref_slice %arg6[%dma_wait3A_129, %dma_wait3A_130] : memref<256x128xf32, #tpu.memory_space<vmem>> -> memref<128x128xf32, #tpu.memory_space<vmem>>
          %dma_wait3A_132 = arith.constant 0 : i32
          %dma_wait3A_133 = tpu.memref_slice %arg5[%run_scoped3A_96, %add3A_79, %dma_wait3A_132] : memref<2x40x128xi32, #tpu.memory_space<vmem>> -> memref<1x1x128xi32, #tpu.memory_space<vmem>>
          %dma_wait3A_134 = tpu.memref_squeeze %dma_wait3A_133 : memref<1x1x128xi32, #tpu.memory_space<vmem>> -> memref<128xi32, #tpu.memory_space<vmem>>
          %dma_wait3A_135 = arith.constant 0 : i32
          %dma_wait3A_136 = arith.constant 0 : i32
          %dma_wait3A_137 = tpu.memref_slice %arg7[%dma_wait3A_135, %dma_wait3A_136] : memref<10112x128xf32, #tpu.memory_space<vmem_shared>> -> memref<10112x128xf32, #tpu.memory_space<vmem_shared>>
          tpu.wait_indirect_dma semaphore(%run_scoped3A_119 : memref<!tpu.dma_semaphore, #tpu.memory_space<semaphore_mem>>) src(%dma_wait3A_131 : memref<128x128xf32, #tpu.memory_space<vmem>>) dst(%dma_wait3A_137 : memref<10112x128xf32, #tpu.memory_space<vmem_shared>>)
          tpu.yield
        }) : () -> ()
        %mul3A_97 = arith.constant 2 : i32
        %mul3A_98 = arith.muli %mul3A_97, %scan3A_75 : i32
        %add3A_99 = arith.constant 1 : i32
        %add3A_100 = arith.addi %mul3A_98, %add3A_99 : i32
        %add3A_101 = arith.constant 1 : i32
        %add3A_102 = arith.addi %add3A_100, %add3A_101 : i32
        %lt3A_103 = arith.constant 40 : i32
        %lt3A_104 = arith.cmpi slt, %add3A_102, %lt3A_103 : i32
        %convert_element_type3A_105 = arith.extui %lt3A_104 : i1 to i32
        %cond3A_106 = arith.constant 0 : i32
        %cond3A_107 = arith.cmpi ne, %convert_element_type3A_105, %cond3A_106 : i32
        scf.if %cond3A_107 {
          %add3A_119 = arith.constant 1 : i32
          %add3A_120 = arith.addi %add3A_100, %add3A_119 : i32
          %dma_start3A_121 = arith.constant 0 : i32
          %dma_start3A_122 = arith.constant 0 : i32
          %dma_start3A_123 = arith.constant 0 : i32
          %dma_start3A_124 = tpu.memref_slice %arg6[%dma_start3A_122, %dma_start3A_123] : memref<256x128xf32, #tpu.memory_space<vmem>> -> memref<128x128xf32, #tpu.memory_space<vmem>>
          %dma_start3A_125 = arith.constant 0 : i32
          %dma_start3A_126 = tpu.memref_slice %arg5[%dma_start3A_121, %add3A_120, %dma_start3A_125] : memref<2x40x128xi32, #tpu.memory_space<vmem>> -> memref<1x1x128xi32, #tpu.memory_space<vmem>>
          %dma_start3A_127 = tpu.memref_squeeze %dma_start3A_126 : memref<1x1x128xi32, #tpu.memory_space<vmem>> -> memref<128xi32, #tpu.memory_space<vmem>>
          %dma_start3A_128 = arith.constant 0 : i32
          %dma_start3A_129 = arith.constant 0 : i32
          %dma_start3A_130 = tpu.memref_slice %arg2[%dma_start3A_128, %dma_start3A_129] : memref<10000x128xf32, #tpu.memory_space<hbm>> -> memref<10000x128xf32, #tpu.memory_space<hbm>>
          tpu.enqueue_indirect_dma source(%dma_start3A_130 : memref<10000x128xf32, #tpu.memory_space<hbm>>) target(%dma_start3A_124 : memref<128x128xf32, #tpu.memory_space<vmem>>) offsets(%dma_start3A_127 : memref<128xi32, #tpu.memory_space<vmem>>) semaphore(%arg8 : memref<!tpu.dma_semaphore, #tpu.memory_space<semaphore_mem>>)
        } else {
        }
        %dma_wait3A_108 = arith.constant 0 : i32
        %dma_wait3A_109 = arith.constant 128 : i32
        %dma_wait3A_110 = arith.constant 0 : i32
        %dma_wait3A_111 = tpu.memref_slice %arg6[%dma_wait3A_109, %dma_wait3A_110] : memref<256x128xf32, #tpu.memory_space<vmem>> -> memref<128x128xf32, #tpu.memory_space<vmem>>
        %dma_wait3A_112 = arith.constant 0 : i32
        %dma_wait3A_113 = tpu.memref_slice %arg5[%dma_wait3A_108, %add3A_100, %dma_wait3A_112] : memref<2x40x128xi32, #tpu.memory_space<vmem>> -> memref<1x1x128xi32, #tpu.memory_space<vmem>>
        %dma_wait3A_114 = tpu.memref_squeeze %dma_wait3A_113 : memref<1x1x128xi32, #tpu.memory_space<vmem>> -> memref<128xi32, #tpu.memory_space<vmem>>
        %dma_wait3A_115 = arith.constant 0 : i32
        %dma_wait3A_116 = arith.constant 0 : i32
        %dma_wait3A_117 = tpu.memref_slice %arg2[%dma_wait3A_115, %dma_wait3A_116] : memref<10000x128xf32, #tpu.memory_space<hbm>> -> memref<10000x128xf32, #tpu.memory_space<hbm>>
        tpu.wait_indirect_dma semaphore(%arg9 : memref<!tpu.dma_semaphore, #tpu.memory_space<semaphore_mem>>) src(%dma_wait3A_117 : memref<10000x128xf32, #tpu.memory_space<hbm>>) dst(%dma_wait3A_111 : memref<128x128xf32, #tpu.memory_space<vmem>>)
        %run_scoped3A_118 = arith.constant 1 : i32
        "tpu.region"() ({
          %run_scoped3A_119 = tpu.sem_alloc : memref<!tpu.dma_semaphore, #tpu.memory_space<semaphore_mem>>
          %dma_start3A_120 = arith.constant 128 : i32
          %dma_start3A_121 = arith.constant 0 : i32
          %dma_start3A_122 = tpu.memref_slice %arg6[%dma_start3A_120, %dma_start3A_121] : memref<256x128xf32, #tpu.memory_space<vmem>> -> memref<128x128xf32, #tpu.memory_space<vmem>>
          %dma_start3A_123 = arith.constant 0 : i32
          %dma_start3A_124 = tpu.memref_slice %arg5[%run_scoped3A_118, %add3A_100, %dma_start3A_123] : memref<2x40x128xi32, #tpu.memory_space<vmem>> -> memref<1x1x128xi32, #tpu.memory_space<vmem>>
          %dma_start3A_125 = tpu.memref_squeeze %dma_start3A_124 : memref<1x1x128xi32, #tpu.memory_space<vmem>> -> memref<128xi32, #tpu.memory_space<vmem>>
          %dma_start3A_126 = arith.constant 0 : i32
          %dma_start3A_127 = arith.constant 0 : i32
          %dma_start3A_128 = tpu.memref_slice %arg7[%dma_start3A_126, %dma_start3A_127] : memref<10112x128xf32, #tpu.memory_space<vmem_shared>> -> memref<10112x128xf32, #tpu.memory_space<vmem_shared>>
          tpu.enqueue_indirect_dma source(%dma_start3A_122 : memref<128x128xf32, #tpu.memory_space<vmem>>) target(%dma_start3A_128 : memref<10112x128xf32, #tpu.memory_space<vmem_shared>>) offsets(%dma_start3A_125 : memref<128xi32, #tpu.memory_space<vmem>>) semaphore(%run_scoped3A_119 : memref<!tpu.dma_semaphore, #tpu.memory_space<semaphore_mem>>) {add = true}
          %dma_wait3A_129 = arith.constant 128 : i32
          %dma_wait3A_130 = arith.constant 0 : i32
          %dma_wait3A_131 = tpu.memref_slice %arg6[%dma_wait3A_129, %dma_wait3A_130] : memref<256x128xf32, #tpu.memory_space<vmem>> -> memref<128x128xf32, #tpu.memory_space<vmem>>
          %dma_wait3A_132 = arith.constant 0 : i32
          %dma_wait3A_133 = tpu.memref_slice %arg5[%run_scoped3A_118, %add3A_100, %dma_wait3A_132] : memref<2x40x128xi32, #tpu.memory_space<vmem>> -> memref<1x1x128xi32, #tpu.memory_space<vmem>>
          %dma_wait3A_134 = tpu.memref_squeeze %dma_wait3A_133 : memref<1x1x128xi32, #tpu.memory_space<vmem>> -> memref<128xi32, #tpu.memory_space<vmem>>
          %dma_wait3A_135 = arith.constant 0 : i32
          %dma_wait3A_136 = arith.constant 0 : i32
          %dma_wait3A_137 = tpu.memref_slice %arg7[%dma_wait3A_135, %dma_wait3A_136] : memref<10112x128xf32, #tpu.memory_space<vmem_shared>> -> memref<10112x128xf32, #tpu.memory_space<vmem_shared>>
          tpu.wait_indirect_dma semaphore(%run_scoped3A_119 : memref<!tpu.dma_semaphore, #tpu.memory_space<semaphore_mem>>) src(%dma_wait3A_131 : memref<128x128xf32, #tpu.memory_space<vmem>>) dst(%dma_wait3A_137 : memref<10112x128xf32, #tpu.memory_space<vmem_shared>>)
          tpu.yield
        }) : () -> ()
      }
      %scan3A_74 = arith.constant 20 : i32
    } else {
    }
    %ge3A = arith.constant 24 : i32
    %ge3A_19 = arith.cmpi sge, %add3A, %ge3A : i32
    %convert_element_type3A_20 = arith.extui %ge3A_19 : i1 to i32
    %cond3A_21 = arith.constant 0 : i32
    %cond3A_22 = arith.cmpi ne, %convert_element_type3A_20, %cond3A_21 : i32
    scf.if %cond3A_22 {
      %mul3A_28 = arith.constant 72 : i32
      %mul3A_29 = arith.muli %mul3A_28, %add3A : i32
      %add3A_30 = arith.constant 192 : i32
      %add3A_31 = arith.addi %mul3A_29, %add3A_30 : i32
      %add3A_32 = arith.constant 0 : i32
      %add3A_33 = arith.addi %add3A_31, %add3A_32 : i32
      %multiple_of3A = tpu.assume_multiple %add3A_33, 8 : i32
      %run_scoped3A = arith.constant 1 : i32
      %run_scoped3A_34 = arith.constant 0 : i32
      "tpu.region"() ({
        %run_scoped3A_77 = tpu.sem_alloc : memref<!tpu.dma_semaphore, #tpu.memory_space<semaphore_mem>>
        %dma_start3A_78 = arith.constant 0 : i32
        %dma_start3A_79 = arith.constant 0 : i32
        %dma_start3A_80 = tpu.memref_slice %arg5[%run_scoped3A_34, %dma_start3A_78, %dma_start3A_79] : memref<2x40x128xi32, #tpu.memory_space<vmem>> -> memref<1x40x128xi32, #tpu.memory_space<vmem>>
        %dma_start3A_81 = tpu.memref_squeeze %dma_start3A_80 : memref<1x40x128xi32, #tpu.memory_space<vmem>> -> memref<40x128xi32, #tpu.memory_space<vmem>>
        %dma_start3A_82 = arith.constant 0 : i32
        %dma_start3A_83 = tpu.memref_slice %arg3[%run_scoped3A, %multiple_of3A, %dma_start3A_82] : memref<2x2500x128xi32, #tpu.memory_space<hbm>> -> memref<1x40x128xi32, #tpu.memory_space<hbm>>
        %dma_start3A_84 = tpu.memref_squeeze %dma_start3A_83 : memref<1x40x128xi32, #tpu.memory_space<hbm>> -> memref<40x128xi32, #tpu.memory_space<hbm>>
        %dma_start3A_85 = arith.constant 0 : i32
        %dma_start3A_86 = arith.constant 0 : i32
        %dma_start3A_87 = tpu.memref_slice %arg5[%run_scoped3A_34, %dma_start3A_85, %dma_start3A_86] : memref<2x40x128xi32, #tpu.memory_space<vmem>> -> memref<1x40x128xi32, #tpu.memory_space<vmem>>
        %dma_start3A_88 = tpu.memref_squeeze %dma_start3A_87 : memref<1x40x128xi32, #tpu.memory_space<vmem>> -> memref<40x128xi32, #tpu.memory_space<vmem>>
        %dma_start3A_89 = arith.constant 0 : i32
        %dma_start3A_90 = tpu.memref_slice %arg3[%run_scoped3A, %multiple_of3A, %dma_start3A_89] : memref<2x2500x128xi32, #tpu.memory_space<hbm>> -> memref<1x40x128xi32, #tpu.memory_space<hbm>>
        %dma_start3A_91 = tpu.memref_squeeze %dma_start3A_90 : memref<1x40x128xi32, #tpu.memory_space<hbm>> -> memref<40x128xi32, #tpu.memory_space<hbm>>
        tpu.enqueue_dma source(%dma_start3A_91 : memref<40x128xi32, #tpu.memory_space<hbm>>) target(%dma_start3A_88 : memref<40x128xi32, #tpu.memory_space<vmem>>) target_semaphore(%run_scoped3A_77 : memref<!tpu.dma_semaphore, #tpu.memory_space<semaphore_mem>>)
        %dma_wait3A = arith.constant 0 : i32
        %dma_wait3A_92 = arith.constant 0 : i32
        %dma_wait3A_93 = tpu.memref_slice %arg5[%run_scoped3A_34, %dma_wait3A, %dma_wait3A_92] : memref<2x40x128xi32, #tpu.memory_space<vmem>> -> memref<1x40x128xi32, #tpu.memory_space<vmem>>
        %dma_wait3A_94 = tpu.memref_squeeze %dma_wait3A_93 : memref<1x40x128xi32, #tpu.memory_space<vmem>> -> memref<40x128xi32, #tpu.memory_space<vmem>>
        %dma_wait3A_95 = arith.constant 0 : i32
        %dma_wait3A_96 = tpu.memref_slice %arg3[%run_scoped3A, %multiple_of3A, %dma_wait3A_95] : memref<2x2500x128xi32, #tpu.memory_space<hbm>> -> memref<1x40x128xi32, #tpu.memory_space<hbm>>
        %dma_wait3A_97 = tpu.memref_squeeze %dma_wait3A_96 : memref<1x40x128xi32, #tpu.memory_space<hbm>> -> memref<40x128xi32, #tpu.memory_space<hbm>>
        %dma_wait3A_98 = arith.constant 0 : i32
        %dma_wait3A_99 = arith.constant 0 : i32
        %dma_wait3A_100 = tpu.memref_slice %arg5[%run_scoped3A_34, %dma_wait3A_98, %dma_wait3A_99] : memref<2x40x128xi32, #tpu.memory_space<vmem>> -> memref<1x40x128xi32, #tpu.memory_space<vmem>>
        %dma_wait3A_101 = tpu.memref_squeeze %dma_wait3A_100 : memref<1x40x128xi32, #tpu.memory_space<vmem>> -> memref<40x128xi32, #tpu.memory_space<vmem>>
        %dma_wait3A_102 = arith.constant 0 : i32
        %dma_wait3A_103 = tpu.memref_slice %arg3[%run_scoped3A, %multiple_of3A, %dma_wait3A_102] : memref<2x2500x128xi32, #tpu.memory_space<hbm>> -> memref<1x40x128xi32, #tpu.memory_space<hbm>>
        %dma_wait3A_104 = tpu.memref_squeeze %dma_wait3A_103 : memref<1x40x128xi32, #tpu.memory_space<hbm>> -> memref<40x128xi32, #tpu.memory_space<hbm>>
        tpu.wait_dma2 semaphore(%run_scoped3A_77 : memref<!tpu.dma_semaphore, #tpu.memory_space<semaphore_mem>>) src(%dma_wait3A_104 : memref<40x128xi32, #tpu.memory_space<hbm>>) dst(%dma_wait3A_101 : memref<40x128xi32, #tpu.memory_space<vmem>>)
        tpu.yield
      }) : () -> ()
      %run_scoped3A_35 = arith.constant 0 : i32
      %run_scoped3A_36 = arith.constant 1 : i32
      "tpu.region"() ({
        %run_scoped3A_77 = tpu.sem_alloc : memref<!tpu.dma_semaphore, #tpu.memory_space<semaphore_mem>>
        %dma_start3A_78 = arith.constant 0 : i32
        %dma_start3A_79 = arith.constant 0 : i32
        %dma_start3A_80 = tpu.memref_slice %arg5[%run_scoped3A_36, %dma_start3A_78, %dma_start3A_79] : memref<2x40x128xi32, #tpu.memory_space<vmem>> -> memref<1x40x128xi32, #tpu.memory_space<vmem>>
        %dma_start3A_81 = tpu.memref_squeeze %dma_start3A_80 : memref<1x40x128xi32, #tpu.memory_space<vmem>> -> memref<40x128xi32, #tpu.memory_space<vmem>>
        %dma_start3A_82 = arith.constant 0 : i32
        %dma_start3A_83 = tpu.memref_slice %arg3[%run_scoped3A_35, %multiple_of3A, %dma_start3A_82] : memref<2x2500x128xi32, #tpu.memory_space<hbm>> -> memref<1x40x128xi32, #tpu.memory_space<hbm>>
        %dma_start3A_84 = tpu.memref_squeeze %dma_start3A_83 : memref<1x40x128xi32, #tpu.memory_space<hbm>> -> memref<40x128xi32, #tpu.memory_space<hbm>>
        %dma_start3A_85 = arith.constant 0 : i32
        %dma_start3A_86 = arith.constant 0 : i32
        %dma_start3A_87 = tpu.memref_slice %arg5[%run_scoped3A_36, %dma_start3A_85, %dma_start3A_86] : memref<2x40x128xi32, #tpu.memory_space<vmem>> -> memref<1x40x128xi32, #tpu.memory_space<vmem>>
        %dma_start3A_88 = tpu.memref_squeeze %dma_start3A_87 : memref<1x40x128xi32, #tpu.memory_space<vmem>> -> memref<40x128xi32, #tpu.memory_space<vmem>>
        %dma_start3A_89 = arith.constant 0 : i32
        %dma_start3A_90 = tpu.memref_slice %arg3[%run_scoped3A_35, %multiple_of3A, %dma_start3A_89] : memref<2x2500x128xi32, #tpu.memory_space<hbm>> -> memref<1x40x128xi32, #tpu.memory_space<hbm>>
        %dma_start3A_91 = tpu.memref_squeeze %dma_start3A_90 : memref<1x40x128xi32, #tpu.memory_space<hbm>> -> memref<40x128xi32, #tpu.memory_space<hbm>>
        tpu.enqueue_dma source(%dma_start3A_91 : memref<40x128xi32, #tpu.memory_space<hbm>>) target(%dma_start3A_88 : memref<40x128xi32, #tpu.memory_space<vmem>>) target_semaphore(%run_scoped3A_77 : memref<!tpu.dma_semaphore, #tpu.memory_space<semaphore_mem>>)
        %dma_wait3A = arith.constant 0 : i32
        %dma_wait3A_92 = arith.constant 0 : i32
        %dma_wait3A_93 = tpu.memref_slice %arg5[%run_scoped3A_36, %dma_wait3A, %dma_wait3A_92] : memref<2x40x128xi32, #tpu.memory_space<vmem>> -> memref<1x40x128xi32, #tpu.memory_space<vmem>>
        %dma_wait3A_94 = tpu.memref_squeeze %dma_wait3A_93 : memref<1x40x128xi32, #tpu.memory_space<vmem>> -> memref<40x128xi32, #tpu.memory_space<vmem>>
        %dma_wait3A_95 = arith.constant 0 : i32
        %dma_wait3A_96 = tpu.memref_slice %arg3[%run_scoped3A_35, %multiple_of3A, %dma_wait3A_95] : memref<2x2500x128xi32, #tpu.memory_space<hbm>> -> memref<1x40x128xi32, #tpu.memory_space<hbm>>
        %dma_wait3A_97 = tpu.memref_squeeze %dma_wait3A_96 : memref<1x40x128xi32, #tpu.memory_space<hbm>> -> memref<40x128xi32, #tpu.memory_space<hbm>>
        %dma_wait3A_98 = arith.constant 0 : i32
        %dma_wait3A_99 = arith.constant 0 : i32
        %dma_wait3A_100 = tpu.memref_slice %arg5[%run_scoped3A_36, %dma_wait3A_98, %dma_wait3A_99] : memref<2x40x128xi32, #tpu.memory_space<vmem>> -> memref<1x40x128xi32, #tpu.memory_space<vmem>>
        %dma_wait3A_101 = tpu.memref_squeeze %dma_wait3A_100 : memref<1x40x128xi32, #tpu.memory_space<vmem>> -> memref<40x128xi32, #tpu.memory_space<vmem>>
        %dma_wait3A_102 = arith.constant 0 : i32
        %dma_wait3A_103 = tpu.memref_slice %arg3[%run_scoped3A_35, %multiple_of3A, %dma_wait3A_102] : memref<2x2500x128xi32, #tpu.memory_space<hbm>> -> memref<1x40x128xi32, #tpu.memory_space<hbm>>
        %dma_wait3A_104 = tpu.memref_squeeze %dma_wait3A_103 : memref<1x40x128xi32, #tpu.memory_space<hbm>> -> memref<40x128xi32, #tpu.memory_space<hbm>>
        tpu.wait_dma2 semaphore(%run_scoped3A_77 : memref<!tpu.dma_semaphore, #tpu.memory_space<semaphore_mem>>) src(%dma_wait3A_104 : memref<40x128xi32, #tpu.memory_space<hbm>>) dst(%dma_wait3A_101 : memref<40x128xi32, #tpu.memory_space<vmem>>)
        tpu.yield
      }) : () -> ()
      %dma_start3A = arith.constant 0 : i32
      %dma_start3A_37 = arith.constant 0 : i32
      %dma_start3A_38 = arith.constant 0 : i32
      %dma_start3A_39 = arith.constant 0 : i32
      %dma_start3A_40 = tpu.memref_slice %arg6[%dma_start3A_38, %dma_start3A_39] : memref<256x128xf32, #tpu.memory_space<vmem>> -> memref<128x128xf32, #tpu.memory_space<vmem>>
      %dma_start3A_41 = arith.constant 0 : i32
      %dma_start3A_42 = tpu.memref_slice %arg5[%dma_start3A, %dma_start3A_37, %dma_start3A_41] : memref<2x40x128xi32, #tpu.memory_space<vmem>> -> memref<1x1x128xi32, #tpu.memory_space<vmem>>
      %dma_start3A_43 = tpu.memref_squeeze %dma_start3A_42 : memref<1x1x128xi32, #tpu.memory_space<vmem>> -> memref<128xi32, #tpu.memory_space<vmem>>
      %dma_start3A_44 = arith.constant 0 : i32
      %dma_start3A_45 = arith.constant 0 : i32
      %dma_start3A_46 = tpu.memref_slice %arg2[%dma_start3A_44, %dma_start3A_45] : memref<10000x128xf32, #tpu.memory_space<hbm>> -> memref<10000x128xf32, #tpu.memory_space<hbm>>
      tpu.enqueue_indirect_dma source(%dma_start3A_46 : memref<10000x128xf32, #tpu.memory_space<hbm>>) target(%dma_start3A_40 : memref<128x128xf32, #tpu.memory_space<vmem>>) offsets(%dma_start3A_43 : memref<128xi32, #tpu.memory_space<vmem>>) semaphore(%arg8 : memref<!tpu.dma_semaphore, #tpu.memory_space<semaphore_mem>>)
      %scan3A_47 = arith.constant 0 : i32
      %scan3A_48 = arith.constant 0 : i32
      %scan3A_49 = arith.constant 20 : i32
      %scan3A_50 = arith.addi %scan3A_48, %scan3A_49 : i32
      %scan3A_51 = arith.constant 1 : i32
      scf.for %scan3A_77 = %scan3A_48 to %scan3A_50 step %scan3A_51  : i32 {
        %mul3A_78 = arith.constant 2 : i32
        %mul3A_79 = arith.muli %mul3A_78, %scan3A_77 : i32
        %add3A_80 = arith.constant 0 : i32
        %add3A_81 = arith.addi %mul3A_79, %add3A_80 : i32
        %add3A_82 = arith.constant 1 : i32
        %add3A_83 = arith.addi %add3A_81, %add3A_82 : i32
        %lt3A_84 = arith.constant 40 : i32
        %lt3A_85 = arith.cmpi slt, %add3A_83, %lt3A_84 : i32
        %convert_element_type3A_86 = arith.extui %lt3A_85 : i1 to i32
        %cond3A_87 = arith.constant 0 : i32
        %cond3A_88 = arith.cmpi ne, %convert_element_type3A_86, %cond3A_87 : i32
        scf.if %cond3A_88 {
          %add3A_121 = arith.constant 1 : i32
          %add3A_122 = arith.addi %add3A_81, %add3A_121 : i32
          %dma_start3A_123 = arith.constant 0 : i32
          %dma_start3A_124 = arith.constant 128 : i32
          %dma_start3A_125 = arith.constant 0 : i32
          %dma_start3A_126 = tpu.memref_slice %arg6[%dma_start3A_124, %dma_start3A_125] : memref<256x128xf32, #tpu.memory_space<vmem>> -> memref<128x128xf32, #tpu.memory_space<vmem>>
          %dma_start3A_127 = arith.constant 0 : i32
          %dma_start3A_128 = tpu.memref_slice %arg5[%dma_start3A_123, %add3A_122, %dma_start3A_127] : memref<2x40x128xi32, #tpu.memory_space<vmem>> -> memref<1x1x128xi32, #tpu.memory_space<vmem>>
          %dma_start3A_129 = tpu.memref_squeeze %dma_start3A_128 : memref<1x1x128xi32, #tpu.memory_space<vmem>> -> memref<128xi32, #tpu.memory_space<vmem>>
          %dma_start3A_130 = arith.constant 0 : i32
          %dma_start3A_131 = arith.constant 0 : i32
          %dma_start3A_132 = tpu.memref_slice %arg2[%dma_start3A_130, %dma_start3A_131] : memref<10000x128xf32, #tpu.memory_space<hbm>> -> memref<10000x128xf32, #tpu.memory_space<hbm>>
          tpu.enqueue_indirect_dma source(%dma_start3A_132 : memref<10000x128xf32, #tpu.memory_space<hbm>>) target(%dma_start3A_126 : memref<128x128xf32, #tpu.memory_space<vmem>>) offsets(%dma_start3A_129 : memref<128xi32, #tpu.memory_space<vmem>>) semaphore(%arg9 : memref<!tpu.dma_semaphore, #tpu.memory_space<semaphore_mem>>)
        } else {
        }
        %dma_wait3A = arith.constant 0 : i32
        %dma_wait3A_89 = arith.constant 0 : i32
        %dma_wait3A_90 = arith.constant 0 : i32
        %dma_wait3A_91 = tpu.memref_slice %arg6[%dma_wait3A_89, %dma_wait3A_90] : memref<256x128xf32, #tpu.memory_space<vmem>> -> memref<128x128xf32, #tpu.memory_space<vmem>>
        %dma_wait3A_92 = arith.constant 0 : i32
        %dma_wait3A_93 = tpu.memref_slice %arg5[%dma_wait3A, %add3A_81, %dma_wait3A_92] : memref<2x40x128xi32, #tpu.memory_space<vmem>> -> memref<1x1x128xi32, #tpu.memory_space<vmem>>
        %dma_wait3A_94 = tpu.memref_squeeze %dma_wait3A_93 : memref<1x1x128xi32, #tpu.memory_space<vmem>> -> memref<128xi32, #tpu.memory_space<vmem>>
        %dma_wait3A_95 = arith.constant 0 : i32
        %dma_wait3A_96 = arith.constant 0 : i32
        %dma_wait3A_97 = tpu.memref_slice %arg2[%dma_wait3A_95, %dma_wait3A_96] : memref<10000x128xf32, #tpu.memory_space<hbm>> -> memref<10000x128xf32, #tpu.memory_space<hbm>>
        tpu.wait_indirect_dma semaphore(%arg8 : memref<!tpu.dma_semaphore, #tpu.memory_space<semaphore_mem>>) src(%dma_wait3A_97 : memref<10000x128xf32, #tpu.memory_space<hbm>>) dst(%dma_wait3A_91 : memref<128x128xf32, #tpu.memory_space<vmem>>)
        %run_scoped3A_98 = arith.constant 1 : i32
        "tpu.region"() ({
          %run_scoped3A_121 = tpu.sem_alloc : memref<!tpu.dma_semaphore, #tpu.memory_space<semaphore_mem>>
          %dma_start3A_122 = arith.constant 0 : i32
          %dma_start3A_123 = arith.constant 0 : i32
          %dma_start3A_124 = tpu.memref_slice %arg6[%dma_start3A_122, %dma_start3A_123] : memref<256x128xf32, #tpu.memory_space<vmem>> -> memref<128x128xf32, #tpu.memory_space<vmem>>
          %dma_start3A_125 = arith.constant 0 : i32
          %dma_start3A_126 = tpu.memref_slice %arg5[%run_scoped3A_98, %add3A_81, %dma_start3A_125] : memref<2x40x128xi32, #tpu.memory_space<vmem>> -> memref<1x1x128xi32, #tpu.memory_space<vmem>>
          %dma_start3A_127 = tpu.memref_squeeze %dma_start3A_126 : memref<1x1x128xi32, #tpu.memory_space<vmem>> -> memref<128xi32, #tpu.memory_space<vmem>>
          %dma_start3A_128 = arith.constant 0 : i32
          %dma_start3A_129 = arith.constant 0 : i32
          %dma_start3A_130 = tpu.memref_slice %arg7[%dma_start3A_128, %dma_start3A_129] : memref<10112x128xf32, #tpu.memory_space<vmem_shared>> -> memref<10112x128xf32, #tpu.memory_space<vmem_shared>>
          tpu.enqueue_indirect_dma source(%dma_start3A_124 : memref<128x128xf32, #tpu.memory_space<vmem>>) target(%dma_start3A_130 : memref<10112x128xf32, #tpu.memory_space<vmem_shared>>) offsets(%dma_start3A_127 : memref<128xi32, #tpu.memory_space<vmem>>) semaphore(%run_scoped3A_121 : memref<!tpu.dma_semaphore, #tpu.memory_space<semaphore_mem>>) {add = true}
          %dma_wait3A_131 = arith.constant 0 : i32
          %dma_wait3A_132 = arith.constant 0 : i32
          %dma_wait3A_133 = tpu.memref_slice %arg6[%dma_wait3A_131, %dma_wait3A_132] : memref<256x128xf32, #tpu.memory_space<vmem>> -> memref<128x128xf32, #tpu.memory_space<vmem>>
          %dma_wait3A_134 = arith.constant 0 : i32
          %dma_wait3A_135 = tpu.memref_slice %arg5[%run_scoped3A_98, %add3A_81, %dma_wait3A_134] : memref<2x40x128xi32, #tpu.memory_space<vmem>> -> memref<1x1x128xi32, #tpu.memory_space<vmem>>
          %dma_wait3A_136 = tpu.memref_squeeze %dma_wait3A_135 : memref<1x1x128xi32, #tpu.memory_space<vmem>> -> memref<128xi32, #tpu.memory_space<vmem>>
          %dma_wait3A_137 = arith.constant 0 : i32
          %dma_wait3A_138 = arith.constant 0 : i32
          %dma_wait3A_139 = tpu.memref_slice %arg7[%dma_wait3A_137, %dma_wait3A_138] : memref<10112x128xf32, #tpu.memory_space<vmem_shared>> -> memref<10112x128xf32, #tpu.memory_space<vmem_shared>>
          tpu.wait_indirect_dma semaphore(%run_scoped3A_121 : memref<!tpu.dma_semaphore, #tpu.memory_space<semaphore_mem>>) src(%dma_wait3A_133 : memref<128x128xf32, #tpu.memory_space<vmem>>) dst(%dma_wait3A_139 : memref<10112x128xf32, #tpu.memory_space<vmem_shared>>)
          tpu.yield
        }) : () -> ()
        %mul3A_99 = arith.constant 2 : i32
        %mul3A_100 = arith.muli %mul3A_99, %scan3A_77 : i32
        %add3A_101 = arith.constant 1 : i32
        %add3A_102 = arith.addi %mul3A_100, %add3A_101 : i32
        %add3A_103 = arith.constant 1 : i32
        %add3A_104 = arith.addi %add3A_102, %add3A_103 : i32
        %lt3A_105 = arith.constant 40 : i32
        %lt3A_106 = arith.cmpi slt, %add3A_104, %lt3A_105 : i32
        %convert_element_type3A_107 = arith.extui %lt3A_106 : i1 to i32
        %cond3A_108 = arith.constant 0 : i32
        %cond3A_109 = arith.cmpi ne, %convert_element_type3A_107, %cond3A_108 : i32
        scf.if %cond3A_109 {
          %add3A_121 = arith.constant 1 : i32
          %add3A_122 = arith.addi %add3A_102, %add3A_121 : i32
          %dma_start3A_123 = arith.constant 0 : i32
          %dma_start3A_124 = arith.constant 0 : i32
          %dma_start3A_125 = arith.constant 0 : i32
          %dma_start3A_126 = tpu.memref_slice %arg6[%dma_start3A_124, %dma_start3A_125] : memref<256x128xf32, #tpu.memory_space<vmem>> -> memref<128x128xf32, #tpu.memory_space<vmem>>
          %dma_start3A_127 = arith.constant 0 : i32
          %dma_start3A_128 = tpu.memref_slice %arg5[%dma_start3A_123, %add3A_122, %dma_start3A_127] : memref<2x40x128xi32, #tpu.memory_space<vmem>> -> memref<1x1x128xi32, #tpu.memory_space<vmem>>
          %dma_start3A_129 = tpu.memref_squeeze %dma_start3A_128 : memref<1x1x128xi32, #tpu.memory_space<vmem>> -> memref<128xi32, #tpu.memory_space<vmem>>
          %dma_start3A_130 = arith.constant 0 : i32
          %dma_start3A_131 = arith.constant 0 : i32
          %dma_start3A_132 = tpu.memref_slice %arg2[%dma_start3A_130, %dma_start3A_131] : memref<10000x128xf32, #tpu.memory_space<hbm>> -> memref<10000x128xf32, #tpu.memory_space<hbm>>
          tpu.enqueue_indirect_dma source(%dma_start3A_132 : memref<10000x128xf32, #tpu.memory_space<hbm>>) target(%dma_start3A_126 : memref<128x128xf32, #tpu.memory_space<vmem>>) offsets(%dma_start3A_129 : memref<128xi32, #tpu.memory_space<vmem>>) semaphore(%arg8 : memref<!tpu.dma_semaphore, #tpu.memory_space<semaphore_mem>>)
        } else {
        }
        %dma_wait3A_110 = arith.constant 0 : i32
        %dma_wait3A_111 = arith.constant 128 : i32
        %dma_wait3A_112 = arith.constant 0 : i32
        %dma_wait3A_113 = tpu.memref_slice %arg6[%dma_wait3A_111, %dma_wait3A_112] : memref<256x128xf32, #tpu.memory_space<vmem>> -> memref<128x128xf32, #tpu.memory_space<vmem>>
        %dma_wait3A_114 = arith.constant 0 : i32
        %dma_wait3A_115 = tpu.memref_slice %arg5[%dma_wait3A_110, %add3A_102, %dma_wait3A_114] : memref<2x40x128xi32, #tpu.memory_space<vmem>> -> memref<1x1x128xi32, #tpu.memory_space<vmem>>
        %dma_wait3A_116 = tpu.memref_squeeze %dma_wait3A_115 : memref<1x1x128xi32, #tpu.memory_space<vmem>> -> memref<128xi32, #tpu.memory_space<vmem>>
        %dma_wait3A_117 = arith.constant 0 : i32
        %dma_wait3A_118 = arith.constant 0 : i32
        %dma_wait3A_119 = tpu.memref_slice %arg2[%dma_wait3A_117, %dma_wait3A_118] : memref<10000x128xf32, #tpu.memory_space<hbm>> -> memref<10000x128xf32, #tpu.memory_space<hbm>>
        tpu.wait_indirect_dma semaphore(%arg9 : memref<!tpu.dma_semaphore, #tpu.memory_space<semaphore_mem>>) src(%dma_wait3A_119 : memref<10000x128xf32, #tpu.memory_space<hbm>>) dst(%dma_wait3A_113 : memref<128x128xf32, #tpu.memory_space<vmem>>)
        %run_scoped3A_120 = arith.constant 1 : i32
        "tpu.region"() ({
          %run_scoped3A_121 = tpu.sem_alloc : memref<!tpu.dma_semaphore, #tpu.memory_space<semaphore_mem>>
          %dma_start3A_122 = arith.constant 128 : i32
          %dma_start3A_123 = arith.constant 0 : i32
          %dma_start3A_124 = tpu.memref_slice %arg6[%dma_start3A_122, %dma_start3A_123] : memref<256x128xf32, #tpu.memory_space<vmem>> -> memref<128x128xf32, #tpu.memory_space<vmem>>
          %dma_start3A_125 = arith.constant 0 : i32
          %dma_start3A_126 = tpu.memref_slice %arg5[%run_scoped3A_120, %add3A_102, %dma_start3A_125] : memref<2x40x128xi32, #tpu.memory_space<vmem>> -> memref<1x1x128xi32, #tpu.memory_space<vmem>>
          %dma_start3A_127 = tpu.memref_squeeze %dma_start3A_126 : memref<1x1x128xi32, #tpu.memory_space<vmem>> -> memref<128xi32, #tpu.memory_space<vmem>>
          %dma_start3A_128 = arith.constant 0 : i32
          %dma_start3A_129 = arith.constant 0 : i32
          %dma_start3A_130 = tpu.memref_slice %arg7[%dma_start3A_128, %dma_start3A_129] : memref<10112x128xf32, #tpu.memory_space<vmem_shared>> -> memref<10112x128xf32, #tpu.memory_space<vmem_shared>>
          tpu.enqueue_indirect_dma source(%dma_start3A_124 : memref<128x128xf32, #tpu.memory_space<vmem>>) target(%dma_start3A_130 : memref<10112x128xf32, #tpu.memory_space<vmem_shared>>) offsets(%dma_start3A_127 : memref<128xi32, #tpu.memory_space<vmem>>) semaphore(%run_scoped3A_121 : memref<!tpu.dma_semaphore, #tpu.memory_space<semaphore_mem>>) {add = true}
          %dma_wait3A_131 = arith.constant 128 : i32
          %dma_wait3A_132 = arith.constant 0 : i32
          %dma_wait3A_133 = tpu.memref_slice %arg6[%dma_wait3A_131, %dma_wait3A_132] : memref<256x128xf32, #tpu.memory_space<vmem>> -> memref<128x128xf32, #tpu.memory_space<vmem>>
          %dma_wait3A_134 = arith.constant 0 : i32
          %dma_wait3A_135 = tpu.memref_slice %arg5[%run_scoped3A_120, %add3A_102, %dma_wait3A_134] : memref<2x40x128xi32, #tpu.memory_space<vmem>> -> memref<1x1x128xi32, #tpu.memory_space<vmem>>
          %dma_wait3A_136 = tpu.memref_squeeze %dma_wait3A_135 : memref<1x1x128xi32, #tpu.memory_space<vmem>> -> memref<128xi32, #tpu.memory_space<vmem>>
          %dma_wait3A_137 = arith.constant 0 : i32
          %dma_wait3A_138 = arith.constant 0 : i32
          %dma_wait3A_139 = tpu.memref_slice %arg7[%dma_wait3A_137, %dma_wait3A_138] : memref<10112x128xf32, #tpu.memory_space<vmem_shared>> -> memref<10112x128xf32, #tpu.memory_space<vmem_shared>>
          tpu.wait_indirect_dma semaphore(%run_scoped3A_121 : memref<!tpu.dma_semaphore, #tpu.memory_space<semaphore_mem>>) src(%dma_wait3A_133 : memref<128x128xf32, #tpu.memory_space<vmem>>) dst(%dma_wait3A_139 : memref<10112x128xf32, #tpu.memory_space<vmem_shared>>)
          tpu.yield
        }) : () -> ()
      }
      %scan3A_52 = arith.constant 20 : i32
      %add3A_53 = arith.constant 40 : i32
      %add3A_54 = arith.addi %add3A_31, %add3A_53 : i32
      %multiple_of3A_55 = tpu.assume_multiple %add3A_54, 8 : i32
      %run_scoped3A_56 = arith.constant 1 : i32
      %run_scoped3A_57 = arith.constant 0 : i32
      "tpu.region"() ({
        %run_scoped3A_77 = tpu.sem_alloc : memref<!tpu.dma_semaphore, #tpu.memory_space<semaphore_mem>>
        %dma_start3A_78 = arith.constant 0 : i32
        %dma_start3A_79 = arith.constant 0 : i32
        %dma_start3A_80 = tpu.memref_slice %arg5[%run_scoped3A_57, %dma_start3A_78, %dma_start3A_79] : memref<2x40x128xi32, #tpu.memory_space<vmem>> -> memref<1x32x128xi32, #tpu.memory_space<vmem>>
        %dma_start3A_81 = tpu.memref_squeeze %dma_start3A_80 : memref<1x32x128xi32, #tpu.memory_space<vmem>> -> memref<32x128xi32, #tpu.memory_space<vmem>>
        %dma_start3A_82 = arith.constant 0 : i32
        %dma_start3A_83 = tpu.memref_slice %arg3[%run_scoped3A_56, %multiple_of3A_55, %dma_start3A_82] : memref<2x2500x128xi32, #tpu.memory_space<hbm>> -> memref<1x32x128xi32, #tpu.memory_space<hbm>>
        %dma_start3A_84 = tpu.memref_squeeze %dma_start3A_83 : memref<1x32x128xi32, #tpu.memory_space<hbm>> -> memref<32x128xi32, #tpu.memory_space<hbm>>
        %dma_start3A_85 = arith.constant 0 : i32
        %dma_start3A_86 = arith.constant 0 : i32
        %dma_start3A_87 = tpu.memref_slice %arg5[%run_scoped3A_57, %dma_start3A_85, %dma_start3A_86] : memref<2x40x128xi32, #tpu.memory_space<vmem>> -> memref<1x32x128xi32, #tpu.memory_space<vmem>>
        %dma_start3A_88 = tpu.memref_squeeze %dma_start3A_87 : memref<1x32x128xi32, #tpu.memory_space<vmem>> -> memref<32x128xi32, #tpu.memory_space<vmem>>
        %dma_start3A_89 = arith.constant 0 : i32
        %dma_start3A_90 = tpu.memref_slice %arg3[%run_scoped3A_56, %multiple_of3A_55, %dma_start3A_89] : memref<2x2500x128xi32, #tpu.memory_space<hbm>> -> memref<1x32x128xi32, #tpu.memory_space<hbm>>
        %dma_start3A_91 = tpu.memref_squeeze %dma_start3A_90 : memref<1x32x128xi32, #tpu.memory_space<hbm>> -> memref<32x128xi32, #tpu.memory_space<hbm>>
        tpu.enqueue_dma source(%dma_start3A_91 : memref<32x128xi32, #tpu.memory_space<hbm>>) target(%dma_start3A_88 : memref<32x128xi32, #tpu.memory_space<vmem>>) target_semaphore(%run_scoped3A_77 : memref<!tpu.dma_semaphore, #tpu.memory_space<semaphore_mem>>)
        %dma_wait3A = arith.constant 0 : i32
        %dma_wait3A_92 = arith.constant 0 : i32
        %dma_wait3A_93 = tpu.memref_slice %arg5[%run_scoped3A_57, %dma_wait3A, %dma_wait3A_92] : memref<2x40x128xi32, #tpu.memory_space<vmem>> -> memref<1x32x128xi32, #tpu.memory_space<vmem>>
        %dma_wait3A_94 = tpu.memref_squeeze %dma_wait3A_93 : memref<1x32x128xi32, #tpu.memory_space<vmem>> -> memref<32x128xi32, #tpu.memory_space<vmem>>
        %dma_wait3A_95 = arith.constant 0 : i32
        %dma_wait3A_96 = tpu.memref_slice %arg3[%run_scoped3A_56, %multiple_of3A_55, %dma_wait3A_95] : memref<2x2500x128xi32, #tpu.memory_space<hbm>> -> memref<1x32x128xi32, #tpu.memory_space<hbm>>
        %dma_wait3A_97 = tpu.memref_squeeze %dma_wait3A_96 : memref<1x32x128xi32, #tpu.memory_space<hbm>> -> memref<32x128xi32, #tpu.memory_space<hbm>>
        %dma_wait3A_98 = arith.constant 0 : i32
        %dma_wait3A_99 = arith.constant 0 : i32
        %dma_wait3A_100 = tpu.memref_slice %arg5[%run_scoped3A_57, %dma_wait3A_98, %dma_wait3A_99] : memref<2x40x128xi32, #tpu.memory_space<vmem>> -> memref<1x32x128xi32, #tpu.memory_space<vmem>>
        %dma_wait3A_101 = tpu.memref_squeeze %dma_wait3A_100 : memref<1x32x128xi32, #tpu.memory_space<vmem>> -> memref<32x128xi32, #tpu.memory_space<vmem>>
        %dma_wait3A_102 = arith.constant 0 : i32
        %dma_wait3A_103 = tpu.memref_slice %arg3[%run_scoped3A_56, %multiple_of3A_55, %dma_wait3A_102] : memref<2x2500x128xi32, #tpu.memory_space<hbm>> -> memref<1x32x128xi32, #tpu.memory_space<hbm>>
        %dma_wait3A_104 = tpu.memref_squeeze %dma_wait3A_103 : memref<1x32x128xi32, #tpu.memory_space<hbm>> -> memref<32x128xi32, #tpu.memory_space<hbm>>
        tpu.wait_dma2 semaphore(%run_scoped3A_77 : memref<!tpu.dma_semaphore, #tpu.memory_space<semaphore_mem>>) src(%dma_wait3A_104 : memref<32x128xi32, #tpu.memory_space<hbm>>) dst(%dma_wait3A_101 : memref<32x128xi32, #tpu.memory_space<vmem>>)
        tpu.yield
      }) : () -> ()
      %run_scoped3A_58 = arith.constant 0 : i32
      %run_scoped3A_59 = arith.constant 1 : i32
      "tpu.region"() ({
        %run_scoped3A_77 = tpu.sem_alloc : memref<!tpu.dma_semaphore, #tpu.memory_space<semaphore_mem>>
        %dma_start3A_78 = arith.constant 0 : i32
        %dma_start3A_79 = arith.constant 0 : i32
        %dma_start3A_80 = tpu.memref_slice %arg5[%run_scoped3A_59, %dma_start3A_78, %dma_start3A_79] : memref<2x40x128xi32, #tpu.memory_space<vmem>> -> memref<1x32x128xi32, #tpu.memory_space<vmem>>
        %dma_start3A_81 = tpu.memref_squeeze %dma_start3A_80 : memref<1x32x128xi32, #tpu.memory_space<vmem>> -> memref<32x128xi32, #tpu.memory_space<vmem>>
        %dma_start3A_82 = arith.constant 0 : i32
        %dma_start3A_83 = tpu.memref_slice %arg3[%run_scoped3A_58, %multiple_of3A_55, %dma_start3A_82] : memref<2x2500x128xi32, #tpu.memory_space<hbm>> -> memref<1x32x128xi32, #tpu.memory_space<hbm>>
        %dma_start3A_84 = tpu.memref_squeeze %dma_start3A_83 : memref<1x32x128xi32, #tpu.memory_space<hbm>> -> memref<32x128xi32, #tpu.memory_space<hbm>>
        %dma_start3A_85 = arith.constant 0 : i32
        %dma_start3A_86 = arith.constant 0 : i32
        %dma_start3A_87 = tpu.memref_slice %arg5[%run_scoped3A_59, %dma_start3A_85, %dma_start3A_86] : memref<2x40x128xi32, #tpu.memory_space<vmem>> -> memref<1x32x128xi32, #tpu.memory_space<vmem>>
        %dma_start3A_88 = tpu.memref_squeeze %dma_start3A_87 : memref<1x32x128xi32, #tpu.memory_space<vmem>> -> memref<32x128xi32, #tpu.memory_space<vmem>>
        %dma_start3A_89 = arith.constant 0 : i32
        %dma_start3A_90 = tpu.memref_slice %arg3[%run_scoped3A_58, %multiple_of3A_55, %dma_start3A_89] : memref<2x2500x128xi32, #tpu.memory_space<hbm>> -> memref<1x32x128xi32, #tpu.memory_space<hbm>>
        %dma_start3A_91 = tpu.memref_squeeze %dma_start3A_90 : memref<1x32x128xi32, #tpu.memory_space<hbm>> -> memref<32x128xi32, #tpu.memory_space<hbm>>
        tpu.enqueue_dma source(%dma_start3A_91 : memref<32x128xi32, #tpu.memory_space<hbm>>) target(%dma_start3A_88 : memref<32x128xi32, #tpu.memory_space<vmem>>) target_semaphore(%run_scoped3A_77 : memref<!tpu.dma_semaphore, #tpu.memory_space<semaphore_mem>>)
        %dma_wait3A = arith.constant 0 : i32
        %dma_wait3A_92 = arith.constant 0 : i32
        %dma_wait3A_93 = tpu.memref_slice %arg5[%run_scoped3A_59, %dma_wait3A, %dma_wait3A_92] : memref<2x40x128xi32, #tpu.memory_space<vmem>> -> memref<1x32x128xi32, #tpu.memory_space<vmem>>
        %dma_wait3A_94 = tpu.memref_squeeze %dma_wait3A_93 : memref<1x32x128xi32, #tpu.memory_space<vmem>> -> memref<32x128xi32, #tpu.memory_space<vmem>>
        %dma_wait3A_95 = arith.constant 0 : i32
        %dma_wait3A_96 = tpu.memref_slice %arg3[%run_scoped3A_58, %multiple_of3A_55, %dma_wait3A_95] : memref<2x2500x128xi32, #tpu.memory_space<hbm>> -> memref<1x32x128xi32, #tpu.memory_space<hbm>>
        %dma_wait3A_97 = tpu.memref_squeeze %dma_wait3A_96 : memref<1x32x128xi32, #tpu.memory_space<hbm>> -> memref<32x128xi32, #tpu.memory_space<hbm>>
        %dma_wait3A_98 = arith.constant 0 : i32
        %dma_wait3A_99 = arith.constant 0 : i32
        %dma_wait3A_100 = tpu.memref_slice %arg5[%run_scoped3A_59, %dma_wait3A_98, %dma_wait3A_99] : memref<2x40x128xi32, #tpu.memory_space<vmem>> -> memref<1x32x128xi32, #tpu.memory_space<vmem>>
        %dma_wait3A_101 = tpu.memref_squeeze %dma_wait3A_100 : memref<1x32x128xi32, #tpu.memory_space<vmem>> -> memref<32x128xi32, #tpu.memory_space<vmem>>
        %dma_wait3A_102 = arith.constant 0 : i32
        %dma_wait3A_103 = tpu.memref_slice %arg3[%run_scoped3A_58, %multiple_of3A_55, %dma_wait3A_102] : memref<2x2500x128xi32, #tpu.memory_space<hbm>> -> memref<1x32x128xi32, #tpu.memory_space<hbm>>
        %dma_wait3A_104 = tpu.memref_squeeze %dma_wait3A_103 : memref<1x32x128xi32, #tpu.memory_space<hbm>> -> memref<32x128xi32, #tpu.memory_space<hbm>>
        tpu.wait_dma2 semaphore(%run_scoped3A_77 : memref<!tpu.dma_semaphore, #tpu.memory_space<semaphore_mem>>) src(%dma_wait3A_104 : memref<32x128xi32, #tpu.memory_space<hbm>>) dst(%dma_wait3A_101 : memref<32x128xi32, #tpu.memory_space<vmem>>)
        tpu.yield
      }) : () -> ()
      %dma_start3A_60 = arith.constant 0 : i32
      %dma_start3A_61 = arith.constant 0 : i32
      %dma_start3A_62 = arith.constant 0 : i32
      %dma_start3A_63 = arith.constant 0 : i32
      %dma_start3A_64 = tpu.memref_slice %arg6[%dma_start3A_62, %dma_start3A_63] : memref<256x128xf32, #tpu.memory_space<vmem>> -> memref<128x128xf32, #tpu.memory_space<vmem>>
      %dma_start3A_65 = arith.constant 0 : i32
      %dma_start3A_66 = tpu.memref_slice %arg5[%dma_start3A_60, %dma_start3A_61, %dma_start3A_65] : memref<2x40x128xi32, #tpu.memory_space<vmem>> -> memref<1x1x128xi32, #tpu.memory_space<vmem>>
      %dma_start3A_67 = tpu.memref_squeeze %dma_start3A_66 : memref<1x1x128xi32, #tpu.memory_space<vmem>> -> memref<128xi32, #tpu.memory_space<vmem>>
      %dma_start3A_68 = arith.constant 0 : i32
      %dma_start3A_69 = arith.constant 0 : i32
      %dma_start3A_70 = tpu.memref_slice %arg2[%dma_start3A_68, %dma_start3A_69] : memref<10000x128xf32, #tpu.memory_space<hbm>> -> memref<10000x128xf32, #tpu.memory_space<hbm>>
      tpu.enqueue_indirect_dma source(%dma_start3A_70 : memref<10000x128xf32, #tpu.memory_space<hbm>>) target(%dma_start3A_64 : memref<128x128xf32, #tpu.memory_space<vmem>>) offsets(%dma_start3A_67 : memref<128xi32, #tpu.memory_space<vmem>>) semaphore(%arg8 : memref<!tpu.dma_semaphore, #tpu.memory_space<semaphore_mem>>)
      %scan3A_71 = arith.constant 0 : i32
      %scan3A_72 = arith.constant 0 : i32
      %scan3A_73 = arith.constant 16 : i32
      %scan3A_74 = arith.addi %scan3A_72, %scan3A_73 : i32
      %scan3A_75 = arith.constant 1 : i32
      scf.for %scan3A_77 = %scan3A_72 to %scan3A_74 step %scan3A_75  : i32 {
        %mul3A_78 = arith.constant 2 : i32
        %mul3A_79 = arith.muli %mul3A_78, %scan3A_77 : i32
        %add3A_80 = arith.constant 0 : i32
        %add3A_81 = arith.addi %mul3A_79, %add3A_80 : i32
        %add3A_82 = arith.constant 1 : i32
        %add3A_83 = arith.addi %add3A_81, %add3A_82 : i32
        %lt3A_84 = arith.constant 32 : i32
        %lt3A_85 = arith.cmpi slt, %add3A_83, %lt3A_84 : i32
        %convert_element_type3A_86 = arith.extui %lt3A_85 : i1 to i32
        %cond3A_87 = arith.constant 0 : i32
        %cond3A_88 = arith.cmpi ne, %convert_element_type3A_86, %cond3A_87 : i32
        scf.if %cond3A_88 {
          %add3A_121 = arith.constant 1 : i32
          %add3A_122 = arith.addi %add3A_81, %add3A_121 : i32
          %dma_start3A_123 = arith.constant 0 : i32
          %dma_start3A_124 = arith.constant 128 : i32
          %dma_start3A_125 = arith.constant 0 : i32
          %dma_start3A_126 = tpu.memref_slice %arg6[%dma_start3A_124, %dma_start3A_125] : memref<256x128xf32, #tpu.memory_space<vmem>> -> memref<128x128xf32, #tpu.memory_space<vmem>>
          %dma_start3A_127 = arith.constant 0 : i32
          %dma_start3A_128 = tpu.memref_slice %arg5[%dma_start3A_123, %add3A_122, %dma_start3A_127] : memref<2x40x128xi32, #tpu.memory_space<vmem>> -> memref<1x1x128xi32, #tpu.memory_space<vmem>>
          %dma_start3A_129 = tpu.memref_squeeze %dma_start3A_128 : memref<1x1x128xi32, #tpu.memory_space<vmem>> -> memref<128xi32, #tpu.memory_space<vmem>>
          %dma_start3A_130 = arith.constant 0 : i32
          %dma_start3A_131 = arith.constant 0 : i32
          %dma_start3A_132 = tpu.memref_slice %arg2[%dma_start3A_130, %dma_start3A_131] : memref<10000x128xf32, #tpu.memory_space<hbm>> -> memref<10000x128xf32, #tpu.memory_space<hbm>>
          tpu.enqueue_indirect_dma source(%dma_start3A_132 : memref<10000x128xf32, #tpu.memory_space<hbm>>) target(%dma_start3A_126 : memref<128x128xf32, #tpu.memory_space<vmem>>) offsets(%dma_start3A_129 : memref<128xi32, #tpu.memory_space<vmem>>) semaphore(%arg9 : memref<!tpu.dma_semaphore, #tpu.memory_space<semaphore_mem>>)
        } else {
        }
        %dma_wait3A = arith.constant 0 : i32
        %dma_wait3A_89 = arith.constant 0 : i32
        %dma_wait3A_90 = arith.constant 0 : i32
        %dma_wait3A_91 = tpu.memref_slice %arg6[%dma_wait3A_89, %dma_wait3A_90] : memref<256x128xf32, #tpu.memory_space<vmem>> -> memref<128x128xf32, #tpu.memory_space<vmem>>
        %dma_wait3A_92 = arith.constant 0 : i32
        %dma_wait3A_93 = tpu.memref_slice %arg5[%dma_wait3A, %add3A_81, %dma_wait3A_92] : memref<2x40x128xi32, #tpu.memory_space<vmem>> -> memref<1x1x128xi32, #tpu.memory_space<vmem>>
        %dma_wait3A_94 = tpu.memref_squeeze %dma_wait3A_93 : memref<1x1x128xi32, #tpu.memory_space<vmem>> -> memref<128xi32, #tpu.memory_space<vmem>>
        %dma_wait3A_95 = arith.constant 0 : i32
        %dma_wait3A_96 = arith.constant 0 : i32
        %dma_wait3A_97 = tpu.memref_slice %arg2[%dma_wait3A_95, %dma_wait3A_96] : memref<10000x128xf32, #tpu.memory_space<hbm>> -> memref<10000x128xf32, #tpu.memory_space<hbm>>
        tpu.wait_indirect_dma semaphore(%arg8 : memref<!tpu.dma_semaphore, #tpu.memory_space<semaphore_mem>>) src(%dma_wait3A_97 : memref<10000x128xf32, #tpu.memory_space<hbm>>) dst(%dma_wait3A_91 : memref<128x128xf32, #tpu.memory_space<vmem>>)
        %run_scoped3A_98 = arith.constant 1 : i32
        "tpu.region"() ({
          %run_scoped3A_121 = tpu.sem_alloc : memref<!tpu.dma_semaphore, #tpu.memory_space<semaphore_mem>>
          %dma_start3A_122 = arith.constant 0 : i32
          %dma_start3A_123 = arith.constant 0 : i32
          %dma_start3A_124 = tpu.memref_slice %arg6[%dma_start3A_122, %dma_start3A_123] : memref<256x128xf32, #tpu.memory_space<vmem>> -> memref<128x128xf32, #tpu.memory_space<vmem>>
          %dma_start3A_125 = arith.constant 0 : i32
          %dma_start3A_126 = tpu.memref_slice %arg5[%run_scoped3A_98, %add3A_81, %dma_start3A_125] : memref<2x40x128xi32, #tpu.memory_space<vmem>> -> memref<1x1x128xi32, #tpu.memory_space<vmem>>
          %dma_start3A_127 = tpu.memref_squeeze %dma_start3A_126 : memref<1x1x128xi32, #tpu.memory_space<vmem>> -> memref<128xi32, #tpu.memory_space<vmem>>
          %dma_start3A_128 = arith.constant 0 : i32
          %dma_start3A_129 = arith.constant 0 : i32
          %dma_start3A_130 = tpu.memref_slice %arg7[%dma_start3A_128, %dma_start3A_129] : memref<10112x128xf32, #tpu.memory_space<vmem_shared>> -> memref<10112x128xf32, #tpu.memory_space<vmem_shared>>
          tpu.enqueue_indirect_dma source(%dma_start3A_124 : memref<128x128xf32, #tpu.memory_space<vmem>>) target(%dma_start3A_130 : memref<10112x128xf32, #tpu.memory_space<vmem_shared>>) offsets(%dma_start3A_127 : memref<128xi32, #tpu.memory_space<vmem>>) semaphore(%run_scoped3A_121 : memref<!tpu.dma_semaphore, #tpu.memory_space<semaphore_mem>>) {add = true}
          %dma_wait3A_131 = arith.constant 0 : i32
          %dma_wait3A_132 = arith.constant 0 : i32
          %dma_wait3A_133 = tpu.memref_slice %arg6[%dma_wait3A_131, %dma_wait3A_132] : memref<256x128xf32, #tpu.memory_space<vmem>> -> memref<128x128xf32, #tpu.memory_space<vmem>>
          %dma_wait3A_134 = arith.constant 0 : i32
          %dma_wait3A_135 = tpu.memref_slice %arg5[%run_scoped3A_98, %add3A_81, %dma_wait3A_134] : memref<2x40x128xi32, #tpu.memory_space<vmem>> -> memref<1x1x128xi32, #tpu.memory_space<vmem>>
          %dma_wait3A_136 = tpu.memref_squeeze %dma_wait3A_135 : memref<1x1x128xi32, #tpu.memory_space<vmem>> -> memref<128xi32, #tpu.memory_space<vmem>>
          %dma_wait3A_137 = arith.constant 0 : i32
          %dma_wait3A_138 = arith.constant 0 : i32
          %dma_wait3A_139 = tpu.memref_slice %arg7[%dma_wait3A_137, %dma_wait3A_138] : memref<10112x128xf32, #tpu.memory_space<vmem_shared>> -> memref<10112x128xf32, #tpu.memory_space<vmem_shared>>
          tpu.wait_indirect_dma semaphore(%run_scoped3A_121 : memref<!tpu.dma_semaphore, #tpu.memory_space<semaphore_mem>>) src(%dma_wait3A_133 : memref<128x128xf32, #tpu.memory_space<vmem>>) dst(%dma_wait3A_139 : memref<10112x128xf32, #tpu.memory_space<vmem_shared>>)
          tpu.yield
        }) : () -> ()
        %mul3A_99 = arith.constant 2 : i32
        %mul3A_100 = arith.muli %mul3A_99, %scan3A_77 : i32
        %add3A_101 = arith.constant 1 : i32
        %add3A_102 = arith.addi %mul3A_100, %add3A_101 : i32
        %add3A_103 = arith.constant 1 : i32
        %add3A_104 = arith.addi %add3A_102, %add3A_103 : i32
        %lt3A_105 = arith.constant 32 : i32
        %lt3A_106 = arith.cmpi slt, %add3A_104, %lt3A_105 : i32
        %convert_element_type3A_107 = arith.extui %lt3A_106 : i1 to i32
        %cond3A_108 = arith.constant 0 : i32
        %cond3A_109 = arith.cmpi ne, %convert_element_type3A_107, %cond3A_108 : i32
        scf.if %cond3A_109 {
          %add3A_121 = arith.constant 1 : i32
          %add3A_122 = arith.addi %add3A_102, %add3A_121 : i32
          %dma_start3A_123 = arith.constant 0 : i32
          %dma_start3A_124 = arith.constant 0 : i32
          %dma_start3A_125 = arith.constant 0 : i32
          %dma_start3A_126 = tpu.memref_slice %arg6[%dma_start3A_124, %dma_start3A_125] : memref<256x128xf32, #tpu.memory_space<vmem>> -> memref<128x128xf32, #tpu.memory_space<vmem>>
          %dma_start3A_127 = arith.constant 0 : i32
          %dma_start3A_128 = tpu.memref_slice %arg5[%dma_start3A_123, %add3A_122, %dma_start3A_127] : memref<2x40x128xi32, #tpu.memory_space<vmem>> -> memref<1x1x128xi32, #tpu.memory_space<vmem>>
          %dma_start3A_129 = tpu.memref_squeeze %dma_start3A_128 : memref<1x1x128xi32, #tpu.memory_space<vmem>> -> memref<128xi32, #tpu.memory_space<vmem>>
          %dma_start3A_130 = arith.constant 0 : i32
          %dma_start3A_131 = arith.constant 0 : i32
          %dma_start3A_132 = tpu.memref_slice %arg2[%dma_start3A_130, %dma_start3A_131] : memref<10000x128xf32, #tpu.memory_space<hbm>> -> memref<10000x128xf32, #tpu.memory_space<hbm>>
          tpu.enqueue_indirect_dma source(%dma_start3A_132 : memref<10000x128xf32, #tpu.memory_space<hbm>>) target(%dma_start3A_126 : memref<128x128xf32, #tpu.memory_space<vmem>>) offsets(%dma_start3A_129 : memref<128xi32, #tpu.memory_space<vmem>>) semaphore(%arg8 : memref<!tpu.dma_semaphore, #tpu.memory_space<semaphore_mem>>)
        } else {
        }
        %dma_wait3A_110 = arith.constant 0 : i32
        %dma_wait3A_111 = arith.constant 128 : i32
        %dma_wait3A_112 = arith.constant 0 : i32
        %dma_wait3A_113 = tpu.memref_slice %arg6[%dma_wait3A_111, %dma_wait3A_112] : memref<256x128xf32, #tpu.memory_space<vmem>> -> memref<128x128xf32, #tpu.memory_space<vmem>>
        %dma_wait3A_114 = arith.constant 0 : i32
        %dma_wait3A_115 = tpu.memref_slice %arg5[%dma_wait3A_110, %add3A_102, %dma_wait3A_114] : memref<2x40x128xi32, #tpu.memory_space<vmem>> -> memref<1x1x128xi32, #tpu.memory_space<vmem>>
        %dma_wait3A_116 = tpu.memref_squeeze %dma_wait3A_115 : memref<1x1x128xi32, #tpu.memory_space<vmem>> -> memref<128xi32, #tpu.memory_space<vmem>>
        %dma_wait3A_117 = arith.constant 0 : i32
        %dma_wait3A_118 = arith.constant 0 : i32
        %dma_wait3A_119 = tpu.memref_slice %arg2[%dma_wait3A_117, %dma_wait3A_118] : memref<10000x128xf32, #tpu.memory_space<hbm>> -> memref<10000x128xf32, #tpu.memory_space<hbm>>
        tpu.wait_indirect_dma semaphore(%arg9 : memref<!tpu.dma_semaphore, #tpu.memory_space<semaphore_mem>>) src(%dma_wait3A_119 : memref<10000x128xf32, #tpu.memory_space<hbm>>) dst(%dma_wait3A_113 : memref<128x128xf32, #tpu.memory_space<vmem>>)
        %run_scoped3A_120 = arith.constant 1 : i32
        "tpu.region"() ({
          %run_scoped3A_121 = tpu.sem_alloc : memref<!tpu.dma_semaphore, #tpu.memory_space<semaphore_mem>>
          %dma_start3A_122 = arith.constant 128 : i32
          %dma_start3A_123 = arith.constant 0 : i32
          %dma_start3A_124 = tpu.memref_slice %arg6[%dma_start3A_122, %dma_start3A_123] : memref<256x128xf32, #tpu.memory_space<vmem>> -> memref<128x128xf32, #tpu.memory_space<vmem>>
          %dma_start3A_125 = arith.constant 0 : i32
          %dma_start3A_126 = tpu.memref_slice %arg5[%run_scoped3A_120, %add3A_102, %dma_start3A_125] : memref<2x40x128xi32, #tpu.memory_space<vmem>> -> memref<1x1x128xi32, #tpu.memory_space<vmem>>
          %dma_start3A_127 = tpu.memref_squeeze %dma_start3A_126 : memref<1x1x128xi32, #tpu.memory_space<vmem>> -> memref<128xi32, #tpu.memory_space<vmem>>
          %dma_start3A_128 = arith.constant 0 : i32
          %dma_start3A_129 = arith.constant 0 : i32
          %dma_start3A_130 = tpu.memref_slice %arg7[%dma_start3A_128, %dma_start3A_129] : memref<10112x128xf32, #tpu.memory_space<vmem_shared>> -> memref<10112x128xf32, #tpu.memory_space<vmem_shared>>
          tpu.enqueue_indirect_dma source(%dma_start3A_124 : memref<128x128xf32, #tpu.memory_space<vmem>>) target(%dma_start3A_130 : memref<10112x128xf32, #tpu.memory_space<vmem_shared>>) offsets(%dma_start3A_127 : memref<128xi32, #tpu.memory_space<vmem>>) semaphore(%run_scoped3A_121 : memref<!tpu.dma_semaphore, #tpu.memory_space<semaphore_mem>>) {add = true}
          %dma_wait3A_131 = arith.constant 128 : i32
          %dma_wait3A_132 = arith.constant 0 : i32
          %dma_wait3A_133 = tpu.memref_slice %arg6[%dma_wait3A_131, %dma_wait3A_132] : memref<256x128xf32, #tpu.memory_space<vmem>> -> memref<128x128xf32, #tpu.memory_space<vmem>>
          %dma_wait3A_134 = arith.constant 0 : i32
          %dma_wait3A_135 = tpu.memref_slice %arg5[%run_scoped3A_120, %add3A_102, %dma_wait3A_134] : memref<2x40x128xi32, #tpu.memory_space<vmem>> -> memref<1x1x128xi32, #tpu.memory_space<vmem>>
          %dma_wait3A_136 = tpu.memref_squeeze %dma_wait3A_135 : memref<1x1x128xi32, #tpu.memory_space<vmem>> -> memref<128xi32, #tpu.memory_space<vmem>>
          %dma_wait3A_137 = arith.constant 0 : i32
          %dma_wait3A_138 = arith.constant 0 : i32
          %dma_wait3A_139 = tpu.memref_slice %arg7[%dma_wait3A_137, %dma_wait3A_138] : memref<10112x128xf32, #tpu.memory_space<vmem_shared>> -> memref<10112x128xf32, #tpu.memory_space<vmem_shared>>
          tpu.wait_indirect_dma semaphore(%run_scoped3A_121 : memref<!tpu.dma_semaphore, #tpu.memory_space<semaphore_mem>>) src(%dma_wait3A_133 : memref<128x128xf32, #tpu.memory_space<vmem>>) dst(%dma_wait3A_139 : memref<10112x128xf32, #tpu.memory_space<vmem_shared>>)
          tpu.yield
        }) : () -> ()
      }
      %scan3A_76 = arith.constant 16 : i32
    } else {
    }
    %eq3A = arith.constant 24 : i32
    %eq3A_23 = arith.cmpi eq, %add3A, %eq3A : i32
    %convert_element_type3A_24 = arith.extui %eq3A_23 : i1 to i32
    %cond3A_25 = arith.constant 0 : i32
    %cond3A_26 = arith.cmpi ne, %convert_element_type3A_24, %cond3A_25 : i32
    scf.if %cond3A_26 {
      %multiple_of3A = arith.constant 2496 : i32
      %multiple_of3A_28 = tpu.assume_multiple %multiple_of3A, 8 : i32
      %run_scoped3A = arith.constant 1 : i32
      %run_scoped3A_29 = arith.constant 0 : i32
      "tpu.region"() ({
        %run_scoped3A_48 = tpu.sem_alloc : memref<!tpu.dma_semaphore, #tpu.memory_space<semaphore_mem>>
        %dma_start3A_49 = arith.constant 0 : i32
        %dma_start3A_50 = arith.constant 0 : i32
        %dma_start3A_51 = tpu.memref_slice %arg5[%run_scoped3A_29, %dma_start3A_49, %dma_start3A_50] : memref<2x40x128xi32, #tpu.memory_space<vmem>> -> memref<1x4x128xi32, #tpu.memory_space<vmem>>
        %dma_start3A_52 = tpu.memref_squeeze %dma_start3A_51 : memref<1x4x128xi32, #tpu.memory_space<vmem>> -> memref<4x128xi32, #tpu.memory_space<vmem>>
        %dma_start3A_53 = arith.constant 0 : i32
        %dma_start3A_54 = tpu.memref_slice %arg3[%run_scoped3A, %multiple_of3A_28, %dma_start3A_53] : memref<2x2500x128xi32, #tpu.memory_space<hbm>> -> memref<1x4x128xi32, #tpu.memory_space<hbm>>
        %dma_start3A_55 = tpu.memref_squeeze %dma_start3A_54 : memref<1x4x128xi32, #tpu.memory_space<hbm>> -> memref<4x128xi32, #tpu.memory_space<hbm>>
        %dma_start3A_56 = arith.constant 0 : i32
        %dma_start3A_57 = arith.constant 0 : i32
        %dma_start3A_58 = tpu.memref_slice %arg5[%run_scoped3A_29, %dma_start3A_56, %dma_start3A_57] : memref<2x40x128xi32, #tpu.memory_space<vmem>> -> memref<1x4x128xi32, #tpu.memory_space<vmem>>
        %dma_start3A_59 = tpu.memref_squeeze %dma_start3A_58 : memref<1x4x128xi32, #tpu.memory_space<vmem>> -> memref<4x128xi32, #tpu.memory_space<vmem>>
        %dma_start3A_60 = arith.constant 0 : i32
        %dma_start3A_61 = tpu.memref_slice %arg3[%run_scoped3A, %multiple_of3A_28, %dma_start3A_60] : memref<2x2500x128xi32, #tpu.memory_space<hbm>> -> memref<1x4x128xi32, #tpu.memory_space<hbm>>
        %dma_start3A_62 = tpu.memref_squeeze %dma_start3A_61 : memref<1x4x128xi32, #tpu.memory_space<hbm>> -> memref<4x128xi32, #tpu.memory_space<hbm>>
        tpu.enqueue_dma source(%dma_start3A_62 : memref<4x128xi32, #tpu.memory_space<hbm>>) target(%dma_start3A_59 : memref<4x128xi32, #tpu.memory_space<vmem>>) target_semaphore(%run_scoped3A_48 : memref<!tpu.dma_semaphore, #tpu.memory_space<semaphore_mem>>)
        %dma_wait3A = arith.constant 0 : i32
        %dma_wait3A_63 = arith.constant 0 : i32
        %dma_wait3A_64 = tpu.memref_slice %arg5[%run_scoped3A_29, %dma_wait3A, %dma_wait3A_63] : memref<2x40x128xi32, #tpu.memory_space<vmem>> -> memref<1x4x128xi32, #tpu.memory_space<vmem>>
        %dma_wait3A_65 = tpu.memref_squeeze %dma_wait3A_64 : memref<1x4x128xi32, #tpu.memory_space<vmem>> -> memref<4x128xi32, #tpu.memory_space<vmem>>
        %dma_wait3A_66 = arith.constant 0 : i32
        %dma_wait3A_67 = tpu.memref_slice %arg3[%run_scoped3A, %multiple_of3A_28, %dma_wait3A_66] : memref<2x2500x128xi32, #tpu.memory_space<hbm>> -> memref<1x4x128xi32, #tpu.memory_space<hbm>>
        %dma_wait3A_68 = tpu.memref_squeeze %dma_wait3A_67 : memref<1x4x128xi32, #tpu.memory_space<hbm>> -> memref<4x128xi32, #tpu.memory_space<hbm>>
        %dma_wait3A_69 = arith.constant 0 : i32
        %dma_wait3A_70 = arith.constant 0 : i32
        %dma_wait3A_71 = tpu.memref_slice %arg5[%run_scoped3A_29, %dma_wait3A_69, %dma_wait3A_70] : memref<2x40x128xi32, #tpu.memory_space<vmem>> -> memref<1x4x128xi32, #tpu.memory_space<vmem>>
        %dma_wait3A_72 = tpu.memref_squeeze %dma_wait3A_71 : memref<1x4x128xi32, #tpu.memory_space<vmem>> -> memref<4x128xi32, #tpu.memory_space<vmem>>
        %dma_wait3A_73 = arith.constant 0 : i32
        %dma_wait3A_74 = tpu.memref_slice %arg3[%run_scoped3A, %multiple_of3A_28, %dma_wait3A_73] : memref<2x2500x128xi32, #tpu.memory_space<hbm>> -> memref<1x4x128xi32, #tpu.memory_space<hbm>>
        %dma_wait3A_75 = tpu.memref_squeeze %dma_wait3A_74 : memref<1x4x128xi32, #tpu.memory_space<hbm>> -> memref<4x128xi32, #tpu.memory_space<hbm>>
        tpu.wait_dma2 semaphore(%run_scoped3A_48 : memref<!tpu.dma_semaphore, #tpu.memory_space<semaphore_mem>>) src(%dma_wait3A_75 : memref<4x128xi32, #tpu.memory_space<hbm>>) dst(%dma_wait3A_72 : memref<4x128xi32, #tpu.memory_space<vmem>>)
        tpu.yield
      }) : () -> ()
      %run_scoped3A_30 = arith.constant 0 : i32
      %run_scoped3A_31 = arith.constant 1 : i32
      "tpu.region"() ({
        %run_scoped3A_48 = tpu.sem_alloc : memref<!tpu.dma_semaphore, #tpu.memory_space<semaphore_mem>>
        %dma_start3A_49 = arith.constant 0 : i32
        %dma_start3A_50 = arith.constant 0 : i32
        %dma_start3A_51 = tpu.memref_slice %arg5[%run_scoped3A_31, %dma_start3A_49, %dma_start3A_50] : memref<2x40x128xi32, #tpu.memory_space<vmem>> -> memref<1x4x128xi32, #tpu.memory_space<vmem>>
        %dma_start3A_52 = tpu.memref_squeeze %dma_start3A_51 : memref<1x4x128xi32, #tpu.memory_space<vmem>> -> memref<4x128xi32, #tpu.memory_space<vmem>>
        %dma_start3A_53 = arith.constant 0 : i32
        %dma_start3A_54 = tpu.memref_slice %arg3[%run_scoped3A_30, %multiple_of3A_28, %dma_start3A_53] : memref<2x2500x128xi32, #tpu.memory_space<hbm>> -> memref<1x4x128xi32, #tpu.memory_space<hbm>>
        %dma_start3A_55 = tpu.memref_squeeze %dma_start3A_54 : memref<1x4x128xi32, #tpu.memory_space<hbm>> -> memref<4x128xi32, #tpu.memory_space<hbm>>
        %dma_start3A_56 = arith.constant 0 : i32
        %dma_start3A_57 = arith.constant 0 : i32
        %dma_start3A_58 = tpu.memref_slice %arg5[%run_scoped3A_31, %dma_start3A_56, %dma_start3A_57] : memref<2x40x128xi32, #tpu.memory_space<vmem>> -> memref<1x4x128xi32, #tpu.memory_space<vmem>>
        %dma_start3A_59 = tpu.memref_squeeze %dma_start3A_58 : memref<1x4x128xi32, #tpu.memory_space<vmem>> -> memref<4x128xi32, #tpu.memory_space<vmem>>
        %dma_start3A_60 = arith.constant 0 : i32
        %dma_start3A_61 = tpu.memref_slice %arg3[%run_scoped3A_30, %multiple_of3A_28, %dma_start3A_60] : memref<2x2500x128xi32, #tpu.memory_space<hbm>> -> memref<1x4x128xi32, #tpu.memory_space<hbm>>
        %dma_start3A_62 = tpu.memref_squeeze %dma_start3A_61 : memref<1x4x128xi32, #tpu.memory_space<hbm>> -> memref<4x128xi32, #tpu.memory_space<hbm>>
        tpu.enqueue_dma source(%dma_start3A_62 : memref<4x128xi32, #tpu.memory_space<hbm>>) target(%dma_start3A_59 : memref<4x128xi32, #tpu.memory_space<vmem>>) target_semaphore(%run_scoped3A_48 : memref<!tpu.dma_semaphore, #tpu.memory_space<semaphore_mem>>)
        %dma_wait3A = arith.constant 0 : i32
        %dma_wait3A_63 = arith.constant 0 : i32
        %dma_wait3A_64 = tpu.memref_slice %arg5[%run_scoped3A_31, %dma_wait3A, %dma_wait3A_63] : memref<2x40x128xi32, #tpu.memory_space<vmem>> -> memref<1x4x128xi32, #tpu.memory_space<vmem>>
        %dma_wait3A_65 = tpu.memref_squeeze %dma_wait3A_64 : memref<1x4x128xi32, #tpu.memory_space<vmem>> -> memref<4x128xi32, #tpu.memory_space<vmem>>
        %dma_wait3A_66 = arith.constant 0 : i32
        %dma_wait3A_67 = tpu.memref_slice %arg3[%run_scoped3A_30, %multiple_of3A_28, %dma_wait3A_66] : memref<2x2500x128xi32, #tpu.memory_space<hbm>> -> memref<1x4x128xi32, #tpu.memory_space<hbm>>
        %dma_wait3A_68 = tpu.memref_squeeze %dma_wait3A_67 : memref<1x4x128xi32, #tpu.memory_space<hbm>> -> memref<4x128xi32, #tpu.memory_space<hbm>>
        %dma_wait3A_69 = arith.constant 0 : i32
        %dma_wait3A_70 = arith.constant 0 : i32
        %dma_wait3A_71 = tpu.memref_slice %arg5[%run_scoped3A_31, %dma_wait3A_69, %dma_wait3A_70] : memref<2x40x128xi32, #tpu.memory_space<vmem>> -> memref<1x4x128xi32, #tpu.memory_space<vmem>>
        %dma_wait3A_72 = tpu.memref_squeeze %dma_wait3A_71 : memref<1x4x128xi32, #tpu.memory_space<vmem>> -> memref<4x128xi32, #tpu.memory_space<vmem>>
        %dma_wait3A_73 = arith.constant 0 : i32
        %dma_wait3A_74 = tpu.memref_slice %arg3[%run_scoped3A_30, %multiple_of3A_28, %dma_wait3A_73] : memref<2x2500x128xi32, #tpu.memory_space<hbm>> -> memref<1x4x128xi32, #tpu.memory_space<hbm>>
        %dma_wait3A_75 = tpu.memref_squeeze %dma_wait3A_74 : memref<1x4x128xi32, #tpu.memory_space<hbm>> -> memref<4x128xi32, #tpu.memory_space<hbm>>
        tpu.wait_dma2 semaphore(%run_scoped3A_48 : memref<!tpu.dma_semaphore, #tpu.memory_space<semaphore_mem>>) src(%dma_wait3A_75 : memref<4x128xi32, #tpu.memory_space<hbm>>) dst(%dma_wait3A_72 : memref<4x128xi32, #tpu.memory_space<vmem>>)
        tpu.yield
      }) : () -> ()
      %dma_start3A = arith.constant 0 : i32
      %dma_start3A_32 = arith.constant 0 : i32
      %dma_start3A_33 = arith.constant 0 : i32
      %dma_start3A_34 = arith.constant 0 : i32
      %dma_start3A_35 = tpu.memref_slice %arg6[%dma_start3A_33, %dma_start3A_34] : memref<256x128xf32, #tpu.memory_space<vmem>> -> memref<128x128xf32, #tpu.memory_space<vmem>>
      %dma_start3A_36 = arith.constant 0 : i32
      %dma_start3A_37 = tpu.memref_slice %arg5[%dma_start3A, %dma_start3A_32, %dma_start3A_36] : memref<2x40x128xi32, #tpu.memory_space<vmem>> -> memref<1x1x128xi32, #tpu.memory_space<vmem>>
      %dma_start3A_38 = tpu.memref_squeeze %dma_start3A_37 : memref<1x1x128xi32, #tpu.memory_space<vmem>> -> memref<128xi32, #tpu.memory_space<vmem>>
      %dma_start3A_39 = arith.constant 0 : i32
      %dma_start3A_40 = arith.constant 0 : i32
      %dma_start3A_41 = tpu.memref_slice %arg2[%dma_start3A_39, %dma_start3A_40] : memref<10000x128xf32, #tpu.memory_space<hbm>> -> memref<10000x128xf32, #tpu.memory_space<hbm>>
      tpu.enqueue_indirect_dma source(%dma_start3A_41 : memref<10000x128xf32, #tpu.memory_space<hbm>>) target(%dma_start3A_35 : memref<128x128xf32, #tpu.memory_space<vmem>>) offsets(%dma_start3A_38 : memref<128xi32, #tpu.memory_space<vmem>>) semaphore(%arg8 : memref<!tpu.dma_semaphore, #tpu.memory_space<semaphore_mem>>)
      %scan3A_42 = arith.constant 0 : i32
      %scan3A_43 = arith.constant 0 : i32
      %scan3A_44 = arith.constant 2 : i32
      %scan3A_45 = arith.addi %scan3A_43, %scan3A_44 : i32
      %scan3A_46 = arith.constant 1 : i32
      scf.for %scan3A_48 = %scan3A_43 to %scan3A_45 step %scan3A_46  : i32 {
        %mul3A_49 = arith.constant 2 : i32
        %mul3A_50 = arith.muli %mul3A_49, %scan3A_48 : i32
        %add3A_51 = arith.constant 0 : i32
        %add3A_52 = arith.addi %mul3A_50, %add3A_51 : i32
        %add3A_53 = arith.constant 1 : i32
        %add3A_54 = arith.addi %add3A_52, %add3A_53 : i32
        %lt3A_55 = arith.constant 4 : i32
        %lt3A_56 = arith.cmpi slt, %add3A_54, %lt3A_55 : i32
        %convert_element_type3A_57 = arith.extui %lt3A_56 : i1 to i32
        %cond3A_58 = arith.constant 0 : i32
        %cond3A_59 = arith.cmpi ne, %convert_element_type3A_57, %cond3A_58 : i32
        scf.if %cond3A_59 {
          %add3A_92 = arith.constant 1 : i32
          %add3A_93 = arith.addi %add3A_52, %add3A_92 : i32
          %dma_start3A_94 = arith.constant 0 : i32
          %dma_start3A_95 = arith.constant 128 : i32
          %dma_start3A_96 = arith.constant 0 : i32
          %dma_start3A_97 = tpu.memref_slice %arg6[%dma_start3A_95, %dma_start3A_96] : memref<256x128xf32, #tpu.memory_space<vmem>> -> memref<128x128xf32, #tpu.memory_space<vmem>>
          %dma_start3A_98 = arith.constant 0 : i32
          %dma_start3A_99 = tpu.memref_slice %arg5[%dma_start3A_94, %add3A_93, %dma_start3A_98] : memref<2x40x128xi32, #tpu.memory_space<vmem>> -> memref<1x1x128xi32, #tpu.memory_space<vmem>>
          %dma_start3A_100 = tpu.memref_squeeze %dma_start3A_99 : memref<1x1x128xi32, #tpu.memory_space<vmem>> -> memref<128xi32, #tpu.memory_space<vmem>>
          %dma_start3A_101 = arith.constant 0 : i32
          %dma_start3A_102 = arith.constant 0 : i32
          %dma_start3A_103 = tpu.memref_slice %arg2[%dma_start3A_101, %dma_start3A_102] : memref<10000x128xf32, #tpu.memory_space<hbm>> -> memref<10000x128xf32, #tpu.memory_space<hbm>>
          tpu.enqueue_indirect_dma source(%dma_start3A_103 : memref<10000x128xf32, #tpu.memory_space<hbm>>) target(%dma_start3A_97 : memref<128x128xf32, #tpu.memory_space<vmem>>) offsets(%dma_start3A_100 : memref<128xi32, #tpu.memory_space<vmem>>) semaphore(%arg9 : memref<!tpu.dma_semaphore, #tpu.memory_space<semaphore_mem>>)
        } else {
        }
        %dma_wait3A = arith.constant 0 : i32
        %dma_wait3A_60 = arith.constant 0 : i32
        %dma_wait3A_61 = arith.constant 0 : i32
        %dma_wait3A_62 = tpu.memref_slice %arg6[%dma_wait3A_60, %dma_wait3A_61] : memref<256x128xf32, #tpu.memory_space<vmem>> -> memref<128x128xf32, #tpu.memory_space<vmem>>
        %dma_wait3A_63 = arith.constant 0 : i32
        %dma_wait3A_64 = tpu.memref_slice %arg5[%dma_wait3A, %add3A_52, %dma_wait3A_63] : memref<2x40x128xi32, #tpu.memory_space<vmem>> -> memref<1x1x128xi32, #tpu.memory_space<vmem>>
        %dma_wait3A_65 = tpu.memref_squeeze %dma_wait3A_64 : memref<1x1x128xi32, #tpu.memory_space<vmem>> -> memref<128xi32, #tpu.memory_space<vmem>>
        %dma_wait3A_66 = arith.constant 0 : i32
        %dma_wait3A_67 = arith.constant 0 : i32
        %dma_wait3A_68 = tpu.memref_slice %arg2[%dma_wait3A_66, %dma_wait3A_67] : memref<10000x128xf32, #tpu.memory_space<hbm>> -> memref<10000x128xf32, #tpu.memory_space<hbm>>
        tpu.wait_indirect_dma semaphore(%arg8 : memref<!tpu.dma_semaphore, #tpu.memory_space<semaphore_mem>>) src(%dma_wait3A_68 : memref<10000x128xf32, #tpu.memory_space<hbm>>) dst(%dma_wait3A_62 : memref<128x128xf32, #tpu.memory_space<vmem>>)
        %run_scoped3A_69 = arith.constant 1 : i32
        "tpu.region"() ({
          %run_scoped3A_92 = tpu.sem_alloc : memref<!tpu.dma_semaphore, #tpu.memory_space<semaphore_mem>>
          %dma_start3A_93 = arith.constant 0 : i32
          %dma_start3A_94 = arith.constant 0 : i32
          %dma_start3A_95 = tpu.memref_slice %arg6[%dma_start3A_93, %dma_start3A_94] : memref<256x128xf32, #tpu.memory_space<vmem>> -> memref<128x128xf32, #tpu.memory_space<vmem>>
          %dma_start3A_96 = arith.constant 0 : i32
          %dma_start3A_97 = tpu.memref_slice %arg5[%run_scoped3A_69, %add3A_52, %dma_start3A_96] : memref<2x40x128xi32, #tpu.memory_space<vmem>> -> memref<1x1x128xi32, #tpu.memory_space<vmem>>
          %dma_start3A_98 = tpu.memref_squeeze %dma_start3A_97 : memref<1x1x128xi32, #tpu.memory_space<vmem>> -> memref<128xi32, #tpu.memory_space<vmem>>
          %dma_start3A_99 = arith.constant 0 : i32
          %dma_start3A_100 = arith.constant 0 : i32
          %dma_start3A_101 = tpu.memref_slice %arg7[%dma_start3A_99, %dma_start3A_100] : memref<10112x128xf32, #tpu.memory_space<vmem_shared>> -> memref<10112x128xf32, #tpu.memory_space<vmem_shared>>
          tpu.enqueue_indirect_dma source(%dma_start3A_95 : memref<128x128xf32, #tpu.memory_space<vmem>>) target(%dma_start3A_101 : memref<10112x128xf32, #tpu.memory_space<vmem_shared>>) offsets(%dma_start3A_98 : memref<128xi32, #tpu.memory_space<vmem>>) semaphore(%run_scoped3A_92 : memref<!tpu.dma_semaphore, #tpu.memory_space<semaphore_mem>>) {add = true}
          %dma_wait3A_102 = arith.constant 0 : i32
          %dma_wait3A_103 = arith.constant 0 : i32
          %dma_wait3A_104 = tpu.memref_slice %arg6[%dma_wait3A_102, %dma_wait3A_103] : memref<256x128xf32, #tpu.memory_space<vmem>> -> memref<128x128xf32, #tpu.memory_space<vmem>>
          %dma_wait3A_105 = arith.constant 0 : i32
          %dma_wait3A_106 = tpu.memref_slice %arg5[%run_scoped3A_69, %add3A_52, %dma_wait3A_105] : memref<2x40x128xi32, #tpu.memory_space<vmem>> -> memref<1x1x128xi32, #tpu.memory_space<vmem>>
          %dma_wait3A_107 = tpu.memref_squeeze %dma_wait3A_106 : memref<1x1x128xi32, #tpu.memory_space<vmem>> -> memref<128xi32, #tpu.memory_space<vmem>>
          %dma_wait3A_108 = arith.constant 0 : i32
          %dma_wait3A_109 = arith.constant 0 : i32
          %dma_wait3A_110 = tpu.memref_slice %arg7[%dma_wait3A_108, %dma_wait3A_109] : memref<10112x128xf32, #tpu.memory_space<vmem_shared>> -> memref<10112x128xf32, #tpu.memory_space<vmem_shared>>
          tpu.wait_indirect_dma semaphore(%run_scoped3A_92 : memref<!tpu.dma_semaphore, #tpu.memory_space<semaphore_mem>>) src(%dma_wait3A_104 : memref<128x128xf32, #tpu.memory_space<vmem>>) dst(%dma_wait3A_110 : memref<10112x128xf32, #tpu.memory_space<vmem_shared>>)
          tpu.yield
        }) : () -> ()
        %mul3A_70 = arith.constant 2 : i32
        %mul3A_71 = arith.muli %mul3A_70, %scan3A_48 : i32
        %add3A_72 = arith.constant 1 : i32
        %add3A_73 = arith.addi %mul3A_71, %add3A_72 : i32
        %add3A_74 = arith.constant 1 : i32
        %add3A_75 = arith.addi %add3A_73, %add3A_74 : i32
        %lt3A_76 = arith.constant 4 : i32
        %lt3A_77 = arith.cmpi slt, %add3A_75, %lt3A_76 : i32
        %convert_element_type3A_78 = arith.extui %lt3A_77 : i1 to i32
        %cond3A_79 = arith.constant 0 : i32
        %cond3A_80 = arith.cmpi ne, %convert_element_type3A_78, %cond3A_79 : i32
        scf.if %cond3A_80 {
          %add3A_92 = arith.constant 1 : i32
          %add3A_93 = arith.addi %add3A_73, %add3A_92 : i32
          %dma_start3A_94 = arith.constant 0 : i32
          %dma_start3A_95 = arith.constant 0 : i32
          %dma_start3A_96 = arith.constant 0 : i32
          %dma_start3A_97 = tpu.memref_slice %arg6[%dma_start3A_95, %dma_start3A_96] : memref<256x128xf32, #tpu.memory_space<vmem>> -> memref<128x128xf32, #tpu.memory_space<vmem>>
          %dma_start3A_98 = arith.constant 0 : i32
          %dma_start3A_99 = tpu.memref_slice %arg5[%dma_start3A_94, %add3A_93, %dma_start3A_98] : memref<2x40x128xi32, #tpu.memory_space<vmem>> -> memref<1x1x128xi32, #tpu.memory_space<vmem>>
          %dma_start3A_100 = tpu.memref_squeeze %dma_start3A_99 : memref<1x1x128xi32, #tpu.memory_space<vmem>> -> memref<128xi32, #tpu.memory_space<vmem>>
          %dma_start3A_101 = arith.constant 0 : i32
          %dma_start3A_102 = arith.constant 0 : i32
          %dma_start3A_103 = tpu.memref_slice %arg2[%dma_start3A_101, %dma_start3A_102] : memref<10000x128xf32, #tpu.memory_space<hbm>> -> memref<10000x128xf32, #tpu.memory_space<hbm>>
          tpu.enqueue_indirect_dma source(%dma_start3A_103 : memref<10000x128xf32, #tpu.memory_space<hbm>>) target(%dma_start3A_97 : memref<128x128xf32, #tpu.memory_space<vmem>>) offsets(%dma_start3A_100 : memref<128xi32, #tpu.memory_space<vmem>>) semaphore(%arg8 : memref<!tpu.dma_semaphore, #tpu.memory_space<semaphore_mem>>)
        } else {
        }
        %dma_wait3A_81 = arith.constant 0 : i32
        %dma_wait3A_82 = arith.constant 128 : i32
        %dma_wait3A_83 = arith.constant 0 : i32
        %dma_wait3A_84 = tpu.memref_slice %arg6[%dma_wait3A_82, %dma_wait3A_83] : memref<256x128xf32, #tpu.memory_space<vmem>> -> memref<128x128xf32, #tpu.memory_space<vmem>>
        %dma_wait3A_85 = arith.constant 0 : i32
        %dma_wait3A_86 = tpu.memref_slice %arg5[%dma_wait3A_81, %add3A_73, %dma_wait3A_85] : memref<2x40x128xi32, #tpu.memory_space<vmem>> -> memref<1x1x128xi32, #tpu.memory_space<vmem>>
        %dma_wait3A_87 = tpu.memref_squeeze %dma_wait3A_86 : memref<1x1x128xi32, #tpu.memory_space<vmem>> -> memref<128xi32, #tpu.memory_space<vmem>>
        %dma_wait3A_88 = arith.constant 0 : i32
        %dma_wait3A_89 = arith.constant 0 : i32
        %dma_wait3A_90 = tpu.memref_slice %arg2[%dma_wait3A_88, %dma_wait3A_89] : memref<10000x128xf32, #tpu.memory_space<hbm>> -> memref<10000x128xf32, #tpu.memory_space<hbm>>
        tpu.wait_indirect_dma semaphore(%arg9 : memref<!tpu.dma_semaphore, #tpu.memory_space<semaphore_mem>>) src(%dma_wait3A_90 : memref<10000x128xf32, #tpu.memory_space<hbm>>) dst(%dma_wait3A_84 : memref<128x128xf32, #tpu.memory_space<vmem>>)
        %run_scoped3A_91 = arith.constant 1 : i32
        "tpu.region"() ({
          %run_scoped3A_92 = tpu.sem_alloc : memref<!tpu.dma_semaphore, #tpu.memory_space<semaphore_mem>>
          %dma_start3A_93 = arith.constant 128 : i32
          %dma_start3A_94 = arith.constant 0 : i32
          %dma_start3A_95 = tpu.memref_slice %arg6[%dma_start3A_93, %dma_start3A_94] : memref<256x128xf32, #tpu.memory_space<vmem>> -> memref<128x128xf32, #tpu.memory_space<vmem>>
          %dma_start3A_96 = arith.constant 0 : i32
          %dma_start3A_97 = tpu.memref_slice %arg5[%run_scoped3A_91, %add3A_73, %dma_start3A_96] : memref<2x40x128xi32, #tpu.memory_space<vmem>> -> memref<1x1x128xi32, #tpu.memory_space<vmem>>
          %dma_start3A_98 = tpu.memref_squeeze %dma_start3A_97 : memref<1x1x128xi32, #tpu.memory_space<vmem>> -> memref<128xi32, #tpu.memory_space<vmem>>
          %dma_start3A_99 = arith.constant 0 : i32
          %dma_start3A_100 = arith.constant 0 : i32
          %dma_start3A_101 = tpu.memref_slice %arg7[%dma_start3A_99, %dma_start3A_100] : memref<10112x128xf32, #tpu.memory_space<vmem_shared>> -> memref<10112x128xf32, #tpu.memory_space<vmem_shared>>
          tpu.enqueue_indirect_dma source(%dma_start3A_95 : memref<128x128xf32, #tpu.memory_space<vmem>>) target(%dma_start3A_101 : memref<10112x128xf32, #tpu.memory_space<vmem_shared>>) offsets(%dma_start3A_98 : memref<128xi32, #tpu.memory_space<vmem>>) semaphore(%run_scoped3A_92 : memref<!tpu.dma_semaphore, #tpu.memory_space<semaphore_mem>>) {add = true}
          %dma_wait3A_102 = arith.constant 128 : i32
          %dma_wait3A_103 = arith.constant 0 : i32
          %dma_wait3A_104 = tpu.memref_slice %arg6[%dma_wait3A_102, %dma_wait3A_103] : memref<256x128xf32, #tpu.memory_space<vmem>> -> memref<128x128xf32, #tpu.memory_space<vmem>>
          %dma_wait3A_105 = arith.constant 0 : i32
          %dma_wait3A_106 = tpu.memref_slice %arg5[%run_scoped3A_91, %add3A_73, %dma_wait3A_105] : memref<2x40x128xi32, #tpu.memory_space<vmem>> -> memref<1x1x128xi32, #tpu.memory_space<vmem>>
          %dma_wait3A_107 = tpu.memref_squeeze %dma_wait3A_106 : memref<1x1x128xi32, #tpu.memory_space<vmem>> -> memref<128xi32, #tpu.memory_space<vmem>>
          %dma_wait3A_108 = arith.constant 0 : i32
          %dma_wait3A_109 = arith.constant 0 : i32
          %dma_wait3A_110 = tpu.memref_slice %arg7[%dma_wait3A_108, %dma_wait3A_109] : memref<10112x128xf32, #tpu.memory_space<vmem_shared>> -> memref<10112x128xf32, #tpu.memory_space<vmem_shared>>
          tpu.wait_indirect_dma semaphore(%run_scoped3A_92 : memref<!tpu.dma_semaphore, #tpu.memory_space<semaphore_mem>>) src(%dma_wait3A_104 : memref<128x128xf32, #tpu.memory_space<vmem>>) dst(%dma_wait3A_110 : memref<10112x128xf32, #tpu.memory_space<vmem_shared>>)
          tpu.yield
        }) : () -> ()
      }
      %scan3A_47 = arith.constant 2 : i32
    } else {
    }
    %barrier3A_27 = arith.constant 0 : index
    tpu.barrier barrier_id(%barrier3A_27)
    "tpu.region"() ({
      %run_scoped3A = tpu.sem_alloc : memref<!tpu.dma_semaphore, #tpu.memory_space<semaphore_mem>>
      %dma_start3A = arith.constant 0 : i32
      %dma_start3A_28 = arith.constant 0 : i32
      %dma_start3A_29 = tpu.memref_slice %arg4[%arg0, %dma_start3A, %dma_start3A_28] : memref<2x10112x128xf32, #tpu.memory_space<hbm>> -> memref<1x10112x128xf32, #tpu.memory_space<hbm>>
      %dma_start3A_30 = tpu.memref_squeeze %dma_start3A_29 : memref<1x10112x128xf32, #tpu.memory_space<hbm>> -> memref<10112x128xf32, #tpu.memory_space<hbm>>
      %dma_start3A_31 = arith.constant 0 : i32
      %dma_start3A_32 = tpu.memref_slice %dma_start3A_30[%mul3A_2, %dma_start3A_31] : memref<10112x128xf32, #tpu.memory_space<hbm>> -> memref<632x128xf32, #tpu.memory_space<hbm>>
      %dma_start3A_33 = arith.constant 0 : i32
      %dma_start3A_34 = tpu.memref_slice %arg7[%mul3A_2, %dma_start3A_33] : memref<10112x128xf32, #tpu.memory_space<vmem_shared>> -> memref<632x128xf32, #tpu.memory_space<vmem_shared>>
      tpu.enqueue_dma source(%dma_start3A_34 : memref<632x128xf32, #tpu.memory_space<vmem_shared>>) target(%dma_start3A_32 : memref<632x128xf32, #tpu.memory_space<hbm>>) target_semaphore(%run_scoped3A : memref<!tpu.dma_semaphore, #tpu.memory_space<semaphore_mem>>)
      %dma_wait3A = arith.constant 0 : i32
      %dma_wait3A_35 = arith.constant 0 : i32
      %dma_wait3A_36 = tpu.memref_slice %arg4[%arg0, %dma_wait3A, %dma_wait3A_35] : memref<2x10112x128xf32, #tpu.memory_space<hbm>> -> memref<1x10112x128xf32, #tpu.memory_space<hbm>>
      %dma_wait3A_37 = tpu.memref_squeeze %dma_wait3A_36 : memref<1x10112x128xf32, #tpu.memory_space<hbm>> -> memref<10112x128xf32, #tpu.memory_space<hbm>>
      %dma_wait3A_38 = arith.constant 0 : i32
      %dma_wait3A_39 = tpu.memref_slice %dma_wait3A_37[%mul3A_2, %dma_wait3A_38] : memref<10112x128xf32, #tpu.memory_space<hbm>> -> memref<632x128xf32, #tpu.memory_space<hbm>>
      %dma_wait3A_40 = arith.constant 0 : i32
      %dma_wait3A_41 = tpu.memref_slice %arg7[%mul3A_2, %dma_wait3A_40] : memref<10112x128xf32, #tpu.memory_space<vmem_shared>> -> memref<632x128xf32, #tpu.memory_space<vmem_shared>>
      tpu.wait_dma2 semaphore(%run_scoped3A : memref<!tpu.dma_semaphore, #tpu.memory_space<semaphore_mem>>) src(%dma_wait3A_41 : memref<632x128xf32, #tpu.memory_space<vmem_shared>>) dst(%dma_wait3A_39 : memref<632x128xf32, #tpu.memory_space<hbm>>)
      tpu.yield
    }) : () -> ()
    return
  }
}

module attributes {stable_mosaic.version = 14 : i64} {
  func.func @body(%arg0: i32, %arg1: i32, %arg2: memref<2000x128xf32, #tpu.memory_space<vmem>>, %arg3: memref<2x2000x128xf32, #tpu.memory_space<vmem>>, %arg4: memref<1xf32, #tpu.memory_space<smem>>, %arg5: memref<128x128xf32, #tpu.memory_space<vmem>>, %arg6: memref<128xf32, #tpu.memory_space<vmem>>, %arg7: memref<128xf32, #tpu.memory_space<vmem>>, %arg8: memref<128xf32, #tpu.memory_space<vmem>>, %arg9: memref<128x128xf32, #tpu.memory_space<vmem>>, %arg10: memref<128xf32, #tpu.memory_space<vmem>>, %arg11: memref<128xf32, #tpu.memory_space<vmem>>, %arg12: memref<128xf32, #tpu.memory_space<vmem>>, %arg13: memref<2000x128xf32, #tpu.memory_space<vmem>>, %arg14: memref<10000x128xf32, #tpu.memory_space<vmem>>, %arg15: memref<10000x128xf32, #tpu.memory_space<vmem>>, %arg16: memref<8x128xf32, #tpu.memory_space<vmem>>) attributes {dimension_semantics = [#tpu.dimension_semantics<arbitrary>, #tpu.dimension_semantics<arbitrary>], iteration_bounds = array<i64: 3, 5>, scalar_prefetch = 0 : i64, scratch_operands = 3 : i64, tpu.core_type = #tpu.core_type<tc>, window_params = [{transform_indices = @transform_0, window_bounds = array<i64: 2000, 128>}, {transform_indices = @transform_1, window_bounds = array<i64: 2, 2000, 128>}, {transform_indices = @transform_2, window_bounds = array<i64: 1>}, {pipeline_mode = #tpu.pipeline_mode<synchronous>, transform_indices = @transform_3, window_bounds = array<i64: 128, 128>}, {pipeline_mode = #tpu.pipeline_mode<synchronous>, transform_indices = @transform_4, window_bounds = array<i64: 128>}, {pipeline_mode = #tpu.pipeline_mode<synchronous>, transform_indices = @transform_5, window_bounds = array<i64: 128>}, {pipeline_mode = #tpu.pipeline_mode<synchronous>, transform_indices = @transform_6, window_bounds = array<i64: 128>}, {pipeline_mode = #tpu.pipeline_mode<synchronous>, transform_indices = @transform_7, window_bounds = array<i64: 128, 128>}, {pipeline_mode = #tpu.pipeline_mode<synchronous>, transform_indices = @transform_8, window_bounds = array<i64: 128>}, {pipeline_mode = #tpu.pipeline_mode<synchronous>, transform_indices = @transform_9, window_bounds = array<i64: 128>}, {pipeline_mode = #tpu.pipeline_mode<synchronous>, transform_indices = @transform_10, window_bounds = array<i64: 128>}, {transform_indices = @transform_11, window_bounds = array<i64: 2000, 128>}]} {
    %mul3A = arith.constant 2000 : i32
    %mul3A_0 = arith.muli %arg1, %mul3A : i32
    %eq3A = arith.constant 0 : i32
    %eq3A_1 = arith.cmpi eq, %arg0, %eq3A : i32
    %convert_element_type3A = arith.extui %eq3A_1 : i1 to i32
    %cond3A = arith.constant 0 : i32
    %cond3A_2 = arith.cmpi ne, %convert_element_type3A, %cond3A : i32
    scf.if %cond3A_2 {
      %get3A = arith.constant 0 : index
      %get3A_13 = arith.constant 0 : index
      %get3A_14 = arith.constant 0 : index
      %get3A_15 = vector.load %arg3[%get3A, %get3A_13, %get3A_14] : memref<2x2000x128xf32, #tpu.memory_space<vmem>>, vector<1x2000x128xf32>
      %get3A_16 = vector.shape_cast %get3A_15 : vector<1x2000x128xf32> to vector<2000x128xf32>
      %get3A_17 = arith.constant 1 : index
      %get3A_18 = arith.constant 0 : index
      %get3A_19 = arith.constant 0 : index
      %get3A_20 = vector.load %arg3[%get3A_17, %get3A_18, %get3A_19] : memref<2x2000x128xf32, #tpu.memory_space<vmem>>, vector<1x2000x128xf32>
      %get3A_21 = vector.shape_cast %get3A_20 : vector<1x2000x128xf32> to vector<2000x128xf32>
      %add3A = arith.addf %get3A_16, %get3A_21 : vector<2000x128xf32>
      %get3A_22 = arith.constant 0 : index
      %get3A_23 = memref.load %arg4[%get3A_22] : memref<1xf32, #tpu.memory_space<smem>>
      %add3A_24 = arith.constant 1.000000e+00 : f32
      %add3A_25 = arith.addf %add3A_24, %get3A_23 : f32
      %get3A_26 = arith.constant 0 : index
      %get3A_27 = arith.constant 0 : index
      %get3A_28 = vector.load %arg2[%get3A_26, %get3A_27] : memref<2000x128xf32, #tpu.memory_space<vmem>>, vector<2000x128xf32>
      %mul3A_29 = vector.broadcast %add3A_25 : f32 to vector<2000x128xf32>
      %mul3A_30 = arith.mulf %mul3A_29, %get3A_28 : vector<2000x128xf32>
      %add3A_31 = arith.addf %mul3A_30, %add3A : vector<2000x128xf32>
      %get3A_32 = arith.constant 0 : index
      %get3A_33 = arith.constant 0 : index
      %get3A_34 = vector.load %arg5[%get3A_32, %get3A_33] : memref<128x128xf32, #tpu.memory_space<vmem>>, vector<128x128xf32>
      %dot_general3A = arith.constant dense<0.000000e+00> : vector<2000x128xf32>
      %dot_general3A_35 = tpu.matmul %add3A_31, %get3A_34, %dot_general3A {dimension_numbers = #tpu.dot_dimension_numbers<[1], [0], [0], [1], [0, 0, 1, 1], [], []>, transpose_lhs_hint = false} : vector<2000x128xf32>, vector<128x128xf32>, vector<2000x128xf32> -> vector<2000x128xf32>
      %get3A_36 = arith.constant 0 : index
      %get3A_37 = vector.load %arg6[%get3A_36] : memref<128xf32, #tpu.memory_space<vmem>>, vector<128xf32>
      %broadcast_in_dim3A = vector.shape_cast %get3A_37 : vector<128xf32> to vector<1x128xf32>
      %add3A_38 = vector.broadcast %broadcast_in_dim3A : vector<1x128xf32> to vector<2000x128xf32>
      %add3A_39 = arith.addf %dot_general3A_35, %add3A_38 : vector<2000x128xf32>
      %swap3A = arith.index_cast %mul3A_0 : i32 to index
      %swap3A_40 = arith.constant 0 : index
      %swap3A_41 = vector.load %arg14[%swap3A, %swap3A_40] : memref<10000x128xf32, #tpu.memory_space<vmem>>, vector<2000x128xf32>
      tpu.vector_store %arg14[%swap3A, %swap3A_40], %add3A_39 {strides = array<i32>} : memref<10000x128xf32, #tpu.memory_space<vmem>>, vector<2000x128xf32>,
      %eq3A_42 = arith.constant 0 : i32
      %eq3A_43 = arith.cmpi eq, %arg1, %eq3A_42 : i32
      %convert_element_type3A_44 = arith.extui %eq3A_43 : i1 to i32
      %cond3A_45 = arith.constant 0 : i32
      %cond3A_46 = arith.cmpi ne, %convert_element_type3A_44, %cond3A_45 : i32
      scf.if %cond3A_46 {
        %broadcast_in_dim3A_67 = arith.constant 0.000000e+00 : f32
        %broadcast_in_dim3A_68 = vector.broadcast %broadcast_in_dim3A_67 : f32 to vector<8x128xf32>
        %swap3A_69 = arith.constant 0 : index
        %swap3A_70 = arith.constant 0 : index
        %swap3A_71 = vector.load %arg16[%swap3A_69, %swap3A_70] : memref<8x128xf32, #tpu.memory_space<vmem>>, vector<8x128xf32>
        tpu.vector_store %arg16[%swap3A_69, %swap3A_70], %broadcast_in_dim3A_68 {strides = array<i32>} : memref<8x128xf32, #tpu.memory_space<vmem>>, vector<8x128xf32>,
      } else {
      }
      %get3A_47 = arith.constant 0 : index
      %get3A_48 = arith.constant 0 : index
      %get3A_49 = vector.load %arg16[%get3A_47, %get3A_48] : memref<8x128xf32, #tpu.memory_space<vmem>>, vector<1x128xf32>
      %reduce_sum3A = arith.constant dense<0.000000e+00> : vector<128xf32>
      %reduce_sum3A_50 = vector.multi_reduction <add>, %add3A_39, %reduce_sum3A [0] : vector<2000x128xf32> to vector<128xf32>
      %broadcast_in_dim3A_51 = vector.shape_cast %reduce_sum3A_50 : vector<128xf32> to vector<1x128xf32>
      %add3A_52 = arith.addf %get3A_49, %broadcast_in_dim3A_51 : vector<1x128xf32>
      %swap3A_53 = arith.constant 0 : index
      %swap3A_54 = arith.constant 0 : index
      %swap3A_55 = vector.load %arg16[%swap3A_53, %swap3A_54] : memref<8x128xf32, #tpu.memory_space<vmem>>, vector<1x128xf32>
      tpu.vector_store %arg16[%swap3A_53, %swap3A_54], %add3A_52 {strides = array<i32>} : memref<8x128xf32, #tpu.memory_space<vmem>>, vector<1x128xf32>,
      %get3A_56 = arith.constant 1 : index
      %get3A_57 = arith.constant 0 : index
      %get3A_58 = vector.load %arg16[%get3A_56, %get3A_57] : memref<8x128xf32, #tpu.memory_space<vmem>>, vector<1x128xf32>
      %mul3A_59 = arith.mulf %add3A_39, %add3A_39 : vector<2000x128xf32>
      %reduce_sum3A_60 = arith.constant dense<0.000000e+00> : vector<128xf32>
      %reduce_sum3A_61 = vector.multi_reduction <add>, %mul3A_59, %reduce_sum3A_60 [0] : vector<2000x128xf32> to vector<128xf32>
      %broadcast_in_dim3A_62 = vector.shape_cast %reduce_sum3A_61 : vector<128xf32> to vector<1x128xf32>
      %add3A_63 = arith.addf %get3A_58, %broadcast_in_dim3A_62 : vector<1x128xf32>
      %swap3A_64 = arith.constant 1 : index
      %swap3A_65 = arith.constant 0 : index
      %swap3A_66 = vector.load %arg16[%swap3A_64, %swap3A_65] : memref<8x128xf32, #tpu.memory_space<vmem>>, vector<1x128xf32>
      tpu.vector_store %arg16[%swap3A_64, %swap3A_65], %add3A_63 {strides = array<i32>} : memref<8x128xf32, #tpu.memory_space<vmem>>, vector<1x128xf32>,
    } else {
    }
    %eq3A_3 = arith.constant 1 : i32
    %eq3A_4 = arith.cmpi eq, %arg0, %eq3A_3 : i32
    %convert_element_type3A_5 = arith.extui %eq3A_4 : i1 to i32
    %cond3A_6 = arith.constant 0 : i32
    %cond3A_7 = arith.cmpi ne, %convert_element_type3A_5, %cond3A_6 : i32
    scf.if %cond3A_7 {
      %get3A = arith.constant 0 : index
      %get3A_13 = arith.constant 0 : index
      %get3A_14 = vector.load %arg16[%get3A, %get3A_13] : memref<8x128xf32, #tpu.memory_space<vmem>>, vector<1x128xf32>
      %mul3A_15 = arith.constant 9.99999974E-5 : f32
      %mul3A_16 = vector.broadcast %mul3A_15 : f32 to vector<1x128xf32>
      %mul3A_17 = arith.mulf %get3A_14, %mul3A_16 : vector<1x128xf32>
      %get3A_18 = arith.constant 1 : index
      %get3A_19 = arith.constant 0 : index
      %get3A_20 = vector.load %arg16[%get3A_18, %get3A_19] : memref<8x128xf32, #tpu.memory_space<vmem>>, vector<1x128xf32>
      %mul3A_21 = arith.constant 9.99999974E-5 : f32
      %mul3A_22 = vector.broadcast %mul3A_21 : f32 to vector<1x128xf32>
      %mul3A_23 = arith.mulf %get3A_20, %mul3A_22 : vector<1x128xf32>
      %mul3A_24 = arith.mulf %mul3A_17, %mul3A_17 : vector<1x128xf32>
      %sub3A = arith.subf %mul3A_23, %mul3A_24 : vector<1x128xf32>
      %get3A_25 = arith.index_cast %mul3A_0 : i32 to index
      %get3A_26 = arith.constant 0 : index
      %get3A_27 = vector.load %arg14[%get3A_25, %get3A_26] : memref<10000x128xf32, #tpu.memory_space<vmem>>, vector<2000x128xf32>
      %get3A_28 = arith.constant 0 : index
      %get3A_29 = vector.load %arg7[%get3A_28] : memref<128xf32, #tpu.memory_space<vmem>>, vector<128xf32>
      %sub3A_30 = vector.broadcast %mul3A_17 : vector<1x128xf32> to vector<2000x128xf32>
      %sub3A_31 = arith.subf %get3A_27, %sub3A_30 : vector<2000x128xf32>
      %broadcast_in_dim3A = vector.shape_cast %get3A_29 : vector<128xf32> to vector<1x128xf32>
      %mul3A_32 = vector.broadcast %broadcast_in_dim3A : vector<1x128xf32> to vector<2000x128xf32>
      %mul3A_33 = arith.mulf %mul3A_32, %sub3A_31 : vector<2000x128xf32>
      %add3A = arith.constant 9.99999974E-6 : f32
      %add3A_34 = vector.broadcast %add3A : f32 to vector<1x128xf32>
      %add3A_35 = arith.addf %sub3A, %add3A_34 : vector<1x128xf32>
      %rsqrt3A = math.rsqrt %add3A_35 : vector<1x128xf32>
      %mul3A_36 = vector.broadcast %rsqrt3A : vector<1x128xf32> to vector<2000x128xf32>
      %mul3A_37 = arith.mulf %mul3A_33, %mul3A_36 : vector<2000x128xf32>
      %get3A_38 = arith.constant 0 : index
      %get3A_39 = vector.load %arg8[%get3A_38] : memref<128xf32, #tpu.memory_space<vmem>>, vector<128xf32>
      %broadcast_in_dim3A_40 = vector.shape_cast %get3A_39 : vector<128xf32> to vector<1x128xf32>
      %add3A_41 = vector.broadcast %broadcast_in_dim3A_40 : vector<1x128xf32> to vector<2000x128xf32>
      %add3A_42 = arith.addf %mul3A_37, %add3A_41 : vector<2000x128xf32>
      %max3A = arith.constant 0.000000e+00 : f32
      %max3A_43 = vector.broadcast %max3A : f32 to vector<2000x128xf32>
      %max3A_44 = arith.maximumf %add3A_42, %max3A_43 : vector<2000x128xf32>
      %get3A_45 = arith.constant 0 : index
      %get3A_46 = arith.constant 0 : index
      %get3A_47 = vector.load %arg9[%get3A_45, %get3A_46] : memref<128x128xf32, #tpu.memory_space<vmem>>, vector<128x128xf32>
      %dot_general3A = arith.constant dense<0.000000e+00> : vector<2000x128xf32>
      %dot_general3A_48 = tpu.matmul %max3A_44, %get3A_47, %dot_general3A {dimension_numbers = #tpu.dot_dimension_numbers<[1], [0], [0], [1], [0, 0, 1, 1], [], []>, transpose_lhs_hint = false} : vector<2000x128xf32>, vector<128x128xf32>, vector<2000x128xf32> -> vector<2000x128xf32>
      %get3A_49 = arith.constant 0 : index
      %get3A_50 = vector.load %arg10[%get3A_49] : memref<128xf32, #tpu.memory_space<vmem>>, vector<128xf32>
      %broadcast_in_dim3A_51 = vector.shape_cast %get3A_50 : vector<128xf32> to vector<1x128xf32>
      %add3A_52 = vector.broadcast %broadcast_in_dim3A_51 : vector<1x128xf32> to vector<2000x128xf32>
      %add3A_53 = arith.addf %dot_general3A_48, %add3A_52 : vector<2000x128xf32>
      %swap3A = arith.index_cast %mul3A_0 : i32 to index
      %swap3A_54 = arith.constant 0 : index
      %swap3A_55 = vector.load %arg15[%swap3A, %swap3A_54] : memref<10000x128xf32, #tpu.memory_space<vmem>>, vector<2000x128xf32>
      tpu.vector_store %arg15[%swap3A, %swap3A_54], %add3A_53 {strides = array<i32>} : memref<10000x128xf32, #tpu.memory_space<vmem>>, vector<2000x128xf32>,
      %get3A_56 = arith.constant 2 : index
      %get3A_57 = arith.constant 0 : index
      %get3A_58 = vector.load %arg16[%get3A_56, %get3A_57] : memref<8x128xf32, #tpu.memory_space<vmem>>, vector<1x128xf32>
      %reduce_sum3A = arith.constant dense<0.000000e+00> : vector<128xf32>
      %reduce_sum3A_59 = vector.multi_reduction <add>, %add3A_53, %reduce_sum3A [0] : vector<2000x128xf32> to vector<128xf32>
      %broadcast_in_dim3A_60 = vector.shape_cast %reduce_sum3A_59 : vector<128xf32> to vector<1x128xf32>
      %add3A_61 = arith.addf %get3A_58, %broadcast_in_dim3A_60 : vector<1x128xf32>
      %swap3A_62 = arith.constant 2 : index
      %swap3A_63 = arith.constant 0 : index
      %swap3A_64 = vector.load %arg16[%swap3A_62, %swap3A_63] : memref<8x128xf32, #tpu.memory_space<vmem>>, vector<1x128xf32>
      tpu.vector_store %arg16[%swap3A_62, %swap3A_63], %add3A_61 {strides = array<i32>} : memref<8x128xf32, #tpu.memory_space<vmem>>, vector<1x128xf32>,
      %get3A_65 = arith.constant 3 : index
      %get3A_66 = arith.constant 0 : index
      %get3A_67 = vector.load %arg16[%get3A_65, %get3A_66] : memref<8x128xf32, #tpu.memory_space<vmem>>, vector<1x128xf32>
      %mul3A_68 = arith.mulf %add3A_53, %add3A_53 : vector<2000x128xf32>
      %reduce_sum3A_69 = arith.constant dense<0.000000e+00> : vector<128xf32>
      %reduce_sum3A_70 = vector.multi_reduction <add>, %mul3A_68, %reduce_sum3A_69 [0] : vector<2000x128xf32> to vector<128xf32>
      %broadcast_in_dim3A_71 = vector.shape_cast %reduce_sum3A_70 : vector<128xf32> to vector<1x128xf32>
      %add3A_72 = arith.addf %get3A_67, %broadcast_in_dim3A_71 : vector<1x128xf32>
      %swap3A_73 = arith.constant 3 : index
      %swap3A_74 = arith.constant 0 : index
      %swap3A_75 = vector.load %arg16[%swap3A_73, %swap3A_74] : memref<8x128xf32, #tpu.memory_space<vmem>>, vector<1x128xf32>
      tpu.vector_store %arg16[%swap3A_73, %swap3A_74], %add3A_72 {strides = array<i32>} : memref<8x128xf32, #tpu.memory_space<vmem>>, vector<1x128xf32>,
    } else {
    }
    %eq3A_8 = arith.constant 2 : i32
    %eq3A_9 = arith.cmpi eq, %arg0, %eq3A_8 : i32
    %convert_element_type3A_10 = arith.extui %eq3A_9 : i1 to i32
    %cond3A_11 = arith.constant 0 : i32
    %cond3A_12 = arith.cmpi ne, %convert_element_type3A_10, %cond3A_11 : i32
    scf.if %cond3A_12 {
      %get3A = arith.constant 2 : index
      %get3A_13 = arith.constant 0 : index
      %get3A_14 = vector.load %arg16[%get3A, %get3A_13] : memref<8x128xf32, #tpu.memory_space<vmem>>, vector<1x128xf32>
      %mul3A_15 = arith.constant 9.99999974E-5 : f32
      %mul3A_16 = vector.broadcast %mul3A_15 : f32 to vector<1x128xf32>
      %mul3A_17 = arith.mulf %get3A_14, %mul3A_16 : vector<1x128xf32>
      %get3A_18 = arith.constant 3 : index
      %get3A_19 = arith.constant 0 : index
      %get3A_20 = vector.load %arg16[%get3A_18, %get3A_19] : memref<8x128xf32, #tpu.memory_space<vmem>>, vector<1x128xf32>
      %mul3A_21 = arith.constant 9.99999974E-5 : f32
      %mul3A_22 = vector.broadcast %mul3A_21 : f32 to vector<1x128xf32>
      %mul3A_23 = arith.mulf %get3A_20, %mul3A_22 : vector<1x128xf32>
      %mul3A_24 = arith.mulf %mul3A_17, %mul3A_17 : vector<1x128xf32>
      %sub3A = arith.subf %mul3A_23, %mul3A_24 : vector<1x128xf32>
      %get3A_25 = arith.index_cast %mul3A_0 : i32 to index
      %get3A_26 = arith.constant 0 : index
      %get3A_27 = vector.load %arg15[%get3A_25, %get3A_26] : memref<10000x128xf32, #tpu.memory_space<vmem>>, vector<2000x128xf32>
      %get3A_28 = arith.constant 0 : index
      %get3A_29 = vector.load %arg11[%get3A_28] : memref<128xf32, #tpu.memory_space<vmem>>, vector<128xf32>
      %sub3A_30 = vector.broadcast %mul3A_17 : vector<1x128xf32> to vector<2000x128xf32>
      %sub3A_31 = arith.subf %get3A_27, %sub3A_30 : vector<2000x128xf32>
      %broadcast_in_dim3A = vector.shape_cast %get3A_29 : vector<128xf32> to vector<1x128xf32>
      %mul3A_32 = vector.broadcast %broadcast_in_dim3A : vector<1x128xf32> to vector<2000x128xf32>
      %mul3A_33 = arith.mulf %mul3A_32, %sub3A_31 : vector<2000x128xf32>
      %add3A = arith.constant 9.99999974E-6 : f32
      %add3A_34 = vector.broadcast %add3A : f32 to vector<1x128xf32>
      %add3A_35 = arith.addf %sub3A, %add3A_34 : vector<1x128xf32>
      %rsqrt3A = math.rsqrt %add3A_35 : vector<1x128xf32>
      %mul3A_36 = vector.broadcast %rsqrt3A : vector<1x128xf32> to vector<2000x128xf32>
      %mul3A_37 = arith.mulf %mul3A_33, %mul3A_36 : vector<2000x128xf32>
      %get3A_38 = arith.constant 0 : index
      %get3A_39 = vector.load %arg12[%get3A_38] : memref<128xf32, #tpu.memory_space<vmem>>, vector<128xf32>
      %broadcast_in_dim3A_40 = vector.shape_cast %get3A_39 : vector<128xf32> to vector<1x128xf32>
      %add3A_41 = vector.broadcast %broadcast_in_dim3A_40 : vector<1x128xf32> to vector<2000x128xf32>
      %add3A_42 = arith.addf %mul3A_37, %add3A_41 : vector<2000x128xf32>
      %max3A = arith.constant 0.000000e+00 : f32
      %max3A_43 = vector.broadcast %max3A : f32 to vector<2000x128xf32>
      %max3A_44 = arith.maximumf %add3A_42, %max3A_43 : vector<2000x128xf32>
      %swap3A = arith.constant 0 : index
      %swap3A_45 = arith.constant 0 : index
      %swap3A_46 = vector.load %arg13[%swap3A, %swap3A_45] : memref<2000x128xf32, #tpu.memory_space<vmem>>, vector<2000x128xf32>
      tpu.vector_store %arg13[%swap3A, %swap3A_45], %max3A_44 {strides = array<i32>} : memref<2000x128xf32, #tpu.memory_space<vmem>>, vector<2000x128xf32>,
    } else {
    }
    return
  }
  func.func @transform_0(%arg0: i32, %arg1: i32) -> (i32, i32) {
    %eq3A = arith.constant 0 : i32
    %eq3A_0 = arith.cmpi eq, %arg0, %eq3A : i32
    %jit3A = arith.constant 4 : i32
    %select_n3A = arith.select %eq3A_0, %arg1, %jit3A : i32
    %c0_i32 = arith.constant 0 : i32
    %c0_i32_1 = arith.constant 0 : i32
    return %select_n3A, %c0_i32 : i32, i32
  }
  func.func @transform_1(%arg0: i32, %arg1: i32) -> (i32, i32, i32) {
    %eq3A = arith.constant 0 : i32
    %eq3A_0 = arith.cmpi eq, %arg0, %eq3A : i32
    %jit3A = arith.constant 4 : i32
    %select_n3A = arith.select %eq3A_0, %arg1, %jit3A : i32
    %c0_i32 = arith.constant 0 : i32
    %c0_i32_1 = arith.constant 0 : i32
    %c0_i32_2 = arith.constant 0 : i32
    return %c0_i32, %select_n3A, %c0_i32_1 : i32, i32, i32
  }
  func.func @transform_2(%arg0: i32, %arg1: i32) -> i32 {
    %c0_i32 = arith.constant 0 : i32
    %c0_i32_0 = arith.constant 0 : i32
    return %c0_i32 : i32
  }
  func.func @transform_3(%arg0: i32, %arg1: i32) -> (i32, i32) {
    %c0_i32 = arith.constant 0 : i32
    %c0_i32_0 = arith.constant 0 : i32
    %c0_i32_1 = arith.constant 0 : i32
    return %c0_i32, %c0_i32_0 : i32, i32
  }
  func.func @transform_4(%arg0: i32, %arg1: i32) -> i32 {
    %c0_i32 = arith.constant 0 : i32
    %c0_i32_0 = arith.constant 0 : i32
    return %c0_i32 : i32
  }
  func.func @transform_5(%arg0: i32, %arg1: i32) -> i32 {
    %c0_i32 = arith.constant 0 : i32
    %c0_i32_0 = arith.constant 0 : i32
    return %c0_i32 : i32
  }
  func.func @transform_6(%arg0: i32, %arg1: i32) -> i32 {
    %c0_i32 = arith.constant 0 : i32
    %c0_i32_0 = arith.constant 0 : i32
    return %c0_i32 : i32
  }
  func.func @transform_7(%arg0: i32, %arg1: i32) -> (i32, i32) {
    %c0_i32 = arith.constant 0 : i32
    %c0_i32_0 = arith.constant 0 : i32
    %c0_i32_1 = arith.constant 0 : i32
    return %c0_i32, %c0_i32_0 : i32, i32
  }
  func.func @transform_8(%arg0: i32, %arg1: i32) -> i32 {
    %c0_i32 = arith.constant 0 : i32
    %c0_i32_0 = arith.constant 0 : i32
    return %c0_i32 : i32
  }
  func.func @transform_9(%arg0: i32, %arg1: i32) -> i32 {
    %c0_i32 = arith.constant 0 : i32
    %c0_i32_0 = arith.constant 0 : i32
    return %c0_i32 : i32
  }
  func.func @transform_10(%arg0: i32, %arg1: i32) -> i32 {
    %c0_i32 = arith.constant 0 : i32
    %c0_i32_0 = arith.constant 0 : i32
    return %c0_i32 : i32
  }
  func.func @transform_11(%arg0: i32, %arg1: i32) -> (i32, i32) {
    %eq3A = arith.constant 2 : i32
    %eq3A_0 = arith.cmpi eq, %arg0, %eq3A : i32
    %jit3A = arith.constant 0 : i32
    %select_n3A = arith.select %eq3A_0, %arg1, %jit3A : i32
    %c0_i32 = arith.constant 0 : i32
    %c0_i32_1 = arith.constant 0 : i32
    return %select_n3A, %c0_i32 : i32, i32
  }
}

</mosaic_0001>

<sc_bundles>
// kernel: kernel.4.cloned.1.call-start
scs
__scs_entry_jumppad:
0x0: {  	(pc) =	sbr.rel $0x88, $3  }
0x1: {  	(tag) =	ssettag $0x0;
	lr =	simm.s32 $0x1  }
0x2: {  	[smem:$0x3F96] =	sst lr;
	_ =	strace $0xD0000000  }
0x3: {  	_ = 	snop  }
0x4: {  	_ = 	snop  }
0x5: {  	_ = 	snop  }
0x6: {  	_ = 	snop  }
0x7: {  	_ = 	snop  }
__scs_overlays_trampoline_lowered:
0x8: {  	[smem:$0x3FA5] =	sst s0  }
0x9: {  	[smem:$0x3FA6] =	sst s1  }
0xa: {  	[smem:$0x3FA7] =	sst s2  }
0xb: {  	[smem:$0x3FA8] =	sst s3  }
0xc: {  	[smem:$0x3FA9] =	sst s4  }
0xd: {  	[smem:$0x3FAA] =	sst s5  }
0xe: {  	[smem:$0x3FAB] =	sst s6  }
0xf: {  	[smem:$0x3FAC] =	sst s7  }
0x10: {  	[smem:$0x3FAD] =	sst s8  }
0x11: {  	[smem:$0x3FAE] =	sst s9;
	s0 =	simm.s32 @!p0 $0x0  }
0x12: {  	s1 =	sld [smem:$0x3F94];
	s0 =	simm.s32 @p0 $0x1  }
0x13: {  	[smem:$0x3FAF] =	sst s0;
	s0 =	simm.s32 @!p1 $0x0  }
0x14: {  	s2 =	sld [smem:$0x3F93];
	s0 =	simm.s32 @p1 $0x1  }
0x15: {  	[smem:$0x3FB0] =	sst s0;
	s0 =	simm.s32 @!p2 $0x0  }
0x16: {  	s3 =	sld [smem:$0x3FDB];
	s0 =	simm.s32 @p2 $0x1  }
0x17: {  	s4 =	simm.s32 $0x1BF5;
	[smem:$0x3FB2] =	sst s0  }
0x18: {  	s0 =	sld [smem:$0x3F95];
	_ =	swait.ge [sflag:s4], $0x0  }
0x19: {  	s7 =	sld [smem:$0x3F96]  }
0x1a: {  	s8 =	sadd.s32 $0xFFFFE003, lr  }
0x1b: {  	s9 =	sadd.s32 $0xFFFFFEF7, lr;
	s5 =	simm.s32 $0xFFFFFFFF;
	p2 =	slt.u32 s8, $0xFFFFF086  }
0x1c: {  	p1 =	slt.u32 s9, $0xF7A;
	s5 =	simm.s32 @!p2 $0x0  }
0x1d: {  	s5 =	simm.s32 @p1 $0x1;
	p0 =	seq.s32 s7, s2  }
0x1e: {  	s7 =	smul.u32 @!p0 $0xF7A, s2;
	p2 =	seq.s32 @!p0 s5, $0x0  }
0x1f: {  	s9 =	smul.u32 $0xF7A, s1;
	s8 =	simm.s32 @!p0 $0x1BF5;
	p2 =	por !p2, p0  }
0x20: {  	[sflag:s8] =	ssyncset.s32 @!p0 $0xFFFFF086;
	s6 =	sadd.s32 @!p0 s3, s7;
	s7 =	simm.s32 @!p0 $0x108  }
0x21: {  	s3 =	sadd.s32 s3, s9;
	s6 =	sadd.s32 @!p0 $0x88, s6;
	s7 =	simm.s32 @p2 $0x1082  }
0x22: {  	[simem:s7], [sflag:s8] =	dma.local @!p0 [hbm:s6], $0xF7A  }
0x23: {  	s9 =	sor.u32 $0xD0000000, s2;
	s6 =	simm.s32 $0x108;
	_ =	swait.ge @!p0 [sflag:s8], $0x0  }
0x24: {  	s3 =	sadd.s32 $0x88, s3;
	s6 =	simm.s32 @!p1 $0x1082;
	[sflag:s4] =	ssyncset.s32 $0xFFFFF086  }
0x25: {  	[simem:s6], [sflag:s4] =	dma.local [hbm:s3], $0xF7A  }
0x26: {  	[smem:$0x3F96] =	sst s1;
	(tag) =	ssettag s2;
	_ =	strace s9  }
0x27: {  	s1 =	sld [smem:$0x3FA6]  }
0x28: {  	s2 =	sld [smem:$0x3FA7]  }
0x29: {  	s4 =	sld [smem:$0x3FA9]  }
0x2a: {  	p0 =	seq.s32 s5, $0x0;
	s5 =	sld [smem:$0x3FAA]  }
0x2b: {  	s6 =	sld [smem:$0x3FAB]  }
0x2c: {  	s7 =	sld [smem:$0x3FAC]  }
0x2d: {  	s3 =	simm.s32 $0x108;
	s8 =	sld [smem:$0x3FAD]  }
0x2e: {  	s3 =	simm.s32 @!p0 $0x1082;
	s9 =	sld [smem:$0x3FAE]  }
0x2f: {  	lr =	sadd.s32 s0, s3;
	s0 =	sld [smem:$0x3FA5]  }
0x30: {  	s3 =	sld [smem:$0x3FA8]  }
0x31: {  	[smem:$0x3FB1] =	sst s10  }
0x32: {  	s10 =	sld [smem:$0x3FAF];
	_ =	sdelay $0x3  }
0x33: {  	p0 =	seq.s32 s10, $0x1;
	s10 =	sld [smem:$0x3FB1];
	_ =	sdelay $0x3  }
0x34: {  	[smem:$0x3FB1] =	sst s10  }
0x35: {  	s10 =	sld [smem:$0x3FB0];
	_ =	sdelay $0x3  }
0x36: {  	p1 =	seq.s32 s10, $0x1;
	s10 =	sld [smem:$0x3FB1];
	_ =	sdelay $0x3  }
0x37: {  	[smem:$0x3FB1] =	sst s10  }
0x38: {  	s10 =	sld [smem:$0x3FB2]  }
0x39: {  	_ = 	snop;
	(pc) =	sbr.ind lr, $3  }
0x3a: {  	_ = 	snop  }
0x3b: {  	_ = 	snop  }
0x3c: {  	p2 =	seq.s32 s10, $0x1;
	s10 =	sld [smem:$0x3FB1]  }
0x3d: {  	_ =	shalt  }
0x3e: {  	_ =	shalt  }
0x3f: {  	_ =	shalt  }
0x40: {  	_ =	shalt  }
0x41: {  	_ =	shalt  }
0x42: {  	_ =	shalt  }
0x43: {  	_ =	shalt  }
0x44: {  	_ =	shalt  }
0x45: {  	_ =	shalt  }
0x46: {  	_ =	shalt  }
0x47: {  	_ =	shalt  }
0x48: {  	_ =	shalt  }
0x49: {  	_ =	shalt  }
0x4a: {  	_ =	shalt  }
0x4b: {  	_ =	shalt  }
0x4c: {  	_ =	shalt  }
0x4d: {  	_ =	shalt  }
0x4e: {  	_ =	shalt  }
0x4f: {  	_ =	shalt  }
0x50: {  	_ =	shalt  }
0x51: {  	_ =	shalt  }
0x52: {  	_ =	shalt  }
0x53: {  	_ =	shalt  }
0x54: {  	_ =	shalt  }
0x55: {  	_ =	shalt  }
0x56: {  	_ =	shalt  }
0x57: {  	_ =	shalt  }
0x58: {  	_ =	shalt  }
0x59: {  	_ =	shalt  }
0x5a: {  	_ =	shalt  }
0x5b: {  	_ =	shalt  }
0x5c: {  	_ =	shalt  }
0x5d: {  	_ =	shalt  }
0x5e: {  	_ =	shalt  }
0x5f: {  	_ =	shalt  }
0x60: {  	_ =	shalt  }
0x61: {  	_ =	shalt  }
0x62: {  	_ =	shalt  }
0x63: {  	_ =	shalt  }
0x64: {  	_ =	shalt  }
0x65: {  	_ =	shalt  }
0x66: {  	_ =	shalt  }
0x67: {  	_ =	shalt  }
0x68: {  	_ =	shalt  }
0x69: {  	_ =	shalt  }
0x6a: {  	_ =	shalt  }
0x6b: {  	_ =	shalt  }
0x6c: {  	_ =	shalt  }
0x6d: {  	_ =	shalt  }
0x6e: {  	_ =	shalt  }
0x6f: {  	_ =	shalt  }
0x70: {  	_ =	shalt  }
0x71: {  	_ =	shalt  }
0x72: {  	_ =	shalt  }
0x73: {  	_ =	shalt  }
0x74: {  	_ =	shalt  }
0x75: {  	_ =	shalt  }
0x76: {  	_ =	shalt  }
0x77: {  	_ =	shalt  }
0x78: {  	_ =	shalt  }
0x79: {  	_ =	shalt  }
0x7a: {  	_ =	shalt  }
0x7b: {  	_ =	shalt  }
0x7c: {  	_ =	shalt  }
0x7d: {  	_ =	shalt  }
0x7e: {  	_ =	shalt  }
0x7f: {  	_ =	shalt  }
0x80: {  	_ =	shalt  }
0x81: {  	_ =	shalt  }
0x82: {  	_ =	shalt  }
0x83: {  	_ =	shalt  }
0x84: {  	_ =	shalt  }
0x85: {  	_ =	shalt  }
0x86: {  	_ =	shalt  }
0x87: {  	_ =	shalt  }
.Lfunc_end0:
.L_simem_size_0:
called_computation_lowered:
.L_overlay_start_0:
0x88: {  	s2 =	sld [smem:$0x3FD9]  }
0x89: {  	s3 =	sld [smem:$0x3FFE];
	_ =	sdelay $0x1  }
0x8a: {  	s1 =	srdreg.scid  }
0x8b: {  	s0 =	sand.u32 $0x1, s1  }
0x8c: {  	s17 =	sshll.u32 s0, $0xA;
	s2 =	sadd.s32 s3, s2  }
0x8d: {  	s2 =	sadd.s32 s2, s17  }
0x8e: {  	[smem:$0x3FBD] =	sst s2  }
0x8f: {  	_ = 	snop  }
0x90: {  	s2 =	sld [smem:$0x3FC9]  }
0x91: {  	s18 =	sld [smem:$0x3FD0];
	(tm) =	ssettm $0x1  }
0x92: {  	s4 =	sld [smem:$0x3FFB];
	_ =	sdelay $0x3  }
0x93: {  	_ =	strace s4  }
0x94: {  	s4 =	sld [smem:$0x3FFC];
	_ =	sdelay $0x3  }
0x95: {  	_ =	strace s4  }
0x96: {  	s4 =	sld [smem:$0x3FFD];
	_ =	sdelay $0x3  }
0x97: {  	_ =	strace s4  }
0x98: {  	_ =	strace $0x8FFFFFFF  }
0x99: {  	s19 =	sld [smem:$0x3FDB];
	_ =	sdelay $0x1  }
0x9a: {  	s5 =	simm.s32 $_scs_section_size  }
0x9b: {  	s6 =	simm.s32 $_size__tile_overlayer_lowered;
	s7 =	simm.s32 $_tile_overlayer_lowered  }
0x9c: {  	s22 =	simm.s32 $0x1BFF;
	s21 =	sshll.u32 s7, $0x1;
	s4 =	sadd.s32 s5, s19  }
0x9d: {  	s8 =	simm.s32 $0x0;
	s20 =	sshll.u32 s6, $0x1;
	s6 =	sadd.s32 s21, s4  }
0x9e: {  	[timem:s8], [sflag:s22] =	dma.local [hbm:s6], s20  }
0x9f: {  	_ =	swait.ge [sflag:s22], s20  }
0xa0: {  	s5 =	ssub.s32 $0x0, s20;
	[sflag:s22] =	ssyncset.done $0x0  }
0xa1: {  	[sflag:s22] =	ssyncadd.s32 s5;
	_ =	sdelay $0x1  }
0xa2: {  	s23 =	simm.s32 $0x1B8B  }
0xa3: {  	_ =	swait.ge [sflag:s23], $0x1  }
0xa4: {  	[sflag:s23] =	ssyncset.done $0x0  }
0xa5: {  	s25 =	simm.s32 $0x1B8E;
	s24 =	sld [smem:$0x3FFE];
	[sflag:s23] =	ssyncadd.s32 $0xFFFFFFFF  }
0xa6: {  	s26 =	simm.s32 $execute0_lowered;
	[smem:$0x3FD2] =	sst s25  }
0xa7: {  	s6 =	sshll.u32 s26, $0x1;
	_ =	strace $0x80000046;
	[dreg:$0x1] =	wrdreg $0xFFFFFFFF  }
0xa8: {  	s28 =	simm.s32 $_size_execute0_lowered;
	s4 =	sadd.s32 s4, s6;
	[dreg:$0x0] =	wrdreg $0x0  }
0xa9: {  	s6 =	sshll.u32 s28, $0x1;
	[dreg:$0x2] =	wrdreg s4  }
0xaa: {  	[dreg:$0x3] =	wrdreg s6  }
0xab: {  	[dreg:$0x4] =	wrdreg $0xC0  }
0xac: {  	_ =	task [dreg:s8], $0x5FFFF  }
0xad: {  	[dreg:$0x1] =	wrdreg $0xFFFFFFFF  }
0xae: {  	[dreg:$0x0] =	wrdreg $0x60  }
0xaf: {  	[dreg:$0x2] =	wrdreg s2  }
0xb0: {  	[dreg:$0x3] =	wrdreg s18  }
0xb1: {  	[dreg:$0x4] =	wrdreg s24  }
0xb2: {  	[dreg:$0x5] =	wrdreg $0xA8000  }
0xb3: {  	[dreg:$0x6] =	wrdreg $0x9  }
0xb4: {  	_ =	task.clear_ibuf [dreg:s8], $0x7FFFF;
	_ =	strace $0x90000046  }
0xb5: {  	s29 =	simm.s32 $0x9;
	_ =	strace $0x80000048  }
0xb6: {  	_ =	swait.ge [sflag:s29], $0x1  }
0xb7: {  	[sflag:s29] =	ssyncadd.s32 $0xFFFFFFFF  }
0xb8: {  	_ =	strace $0x90000048  }
0xb9: {  	_ =	sfence  }
0xba: {  	s30 =	sld [smem:$0x0];
	_ =	sdelay $0x2  }
0xbb: {  	s31 =	sshll.u32 s1, $0xD;
	s1 =	sshrl.u32 s1, $0x2  }
0xbc: {  	s3 =	sand.u32 $0x4000, s31;
	s1 =	sadd.s32 s1, s30  }
0xbd: {  	s0 =	sor.u32 s3, s0;
	s1 =	sshll.u32 s1, $0x11  }
0xbe: {  	s0 =	sor.u32 s1, s0  }
0xbf: {  	s0 =	sadd.s32 $0x8F2B, s0  }
0xc0: {  	[sflag:s0] =	ssyncadd.remote.s32 $0x1  }
0xc1: {  	_ =	sfence.sel $0xFFFF  }
0xc2: {  	[dreg:$0x0] =	wrdreg $0xFFFFFFFF;
	(pc) =	sbr.abs _section_cstart, $3  }
0xc3: {  	[dreg:$0x1] =	wrdreg $0xFFFFFFFF  }
0xc4: {  	_ =	task.clear_ibuf [dreg:s8], $0x2FFFF;
	_ =	strace $0x9FFFFFFF  }
0xc5: {  	(tm) =	ssettm $0x7FFFFFFF  }
tec
execute0_lowered:
.L_overlay_start_1:
0x0: {  	(tag) =	ssettag $0x1  }
0x1: {  	s1 =	rddreg [dreg:$0x0]  }
0x2: {  	s0 =	rddreg [dreg:$0x1]  }
0x3: {  	s5 =	rddreg [dreg:$0x2]  }
0x4: {  	s2 =	rddreg [dreg:$0x3];
	s3 =	simm.s32 $0x0  }
0x5: {  	s4 =	srdreg.scid;
	s19 =	simm.s32 $0x2800;
	s28 =	simm.s32 $0x1380  }
0x6: {  	s29 =	simm.s32 $0x2700;
	s30 =	simm.s32 $0x2780;
	[smem:$0x7FF] =	sst s3  }
0x7: {  	s6 =	sand.u32 $0x1, s4;
	s4 =	stileid.u32;
	s25 =	sadd.s32 $0x13880, s0  }
0x8: {  	s7 =	smul.u32 $0x27800, s6;
	s8 =	sshll.u32 s6, $0x4;
	s6 =	ssub.s32 $0x2, s6  }
0x9: {  	s20 =	smul.u32 $0x4F000, s4;
	_ =	strace $0x80000047;
	[dreg:$0x7] =	wrdreg s25  }
0xa: {  	s31 =	smul.u32 $0x2780, s4;
	s25 =	simm.s32 $0x1;
	s13 =	sor.u32 s4, s8  }
0xb: {  	s9 =	sshrl.u32 s6, $0x1;
	s10 =	smul.u32 $0x2400, s13;
	s14 =	sadd.s32 s7, s5  }
0xc: {  	s18 =	ssub.s32 s6, s9;
	s21 =	sshrl.u32 s20, $0x2;
	s23 =	smul.u32 $0x2800, s13  }
0xd: {  	p0 =	sgt.u32 s13, $0x17;
	s20 =	simm.s32 $0x3;
	p1 =	sne.s32 s13, $0x18  }
0xe: {  	s5 =	sadd.s32 s21, s2;
	s26 =	sadd.s32 $0x1E00, s14;
	s18 =	smax.u32 s18, $0x1  }
0xf: {  	s21 =	simm.s32 $0x1400;
	s22 =	sshrl.u32 s10, $0x3;
	s6 =	sadd.s32 $0x8000, s5  }
0x10: {  	s7 =	sadd.s32 $0x10000, s5;
	s12 =	sshrl.u32 s23, $0x3;
	s23 =	sadd.s32 s31, s26  }
0x11: {  	s26 =	simm.s32 $0x2;
	s11 =	sadd.s32 s0, s22;
	s12 =	sadd.s32 s0, s12  }
.Ltmp0:
0x12: {  	s0 =	sadd.s32 $0x9C00, s0;
	s22 =	simm.s32 $0x80;
	(pc) =	sbr.rel .LBB2_1-.Ltmp0, $4  }
0x13: {  	s8 =	sadd.s32 $0xA880, s11;
	s24 =	sadd.s32 $0xC00, s11;
	s10 =	sadd.s32 $0xAB00, s11  }
0x14: {  	s11 =	sadd.s32 $0xE80, s11;
	[dreg:$0x8] =	wrdreg s0;
	s15 =	sadd.s32 $0x9C80, s12  }
0x15: {  	s16 =	sadd.s32 $0x9F00, s12;
	s17 =	sadd.s32 $0x280, s12;
	[dreg:$0x5] =	wrdreg s8  }
0x16: {  	v0 =	vimm.f32 $0.0e+00;
	s0 =	simm.s32 $0x0;
	[dreg:$0x6] =	wrdreg s24;
	s24 =	simm.s32 $0x6800  }
.LBB2_9:
0x17: {  	s8 =	sadd.s32 $0xFFFFFF80, s31;
	[sflag:s20] =	ssyncadd.s32 @p2 $0xFFFFC000  }
0x18: {  	[tilespmem:s24], [sflag:$0x2] =	stream.indirect.gather [hbm4b:s1+s22], $0x80, s8, s22, $0xb8;
	[tilespmem:$0x1E400] =	vst v63  }
0x19: {  	_ =	swait.ge [sflag:s25], $0x4000  }
0x1a: {  	[sflag:s25] =	ssyncset.done $0x0  }
0x1b: {  	s13 =	sadd.s32 $0x1300, s31;
	[sflag:s25] =	ssyncadd.s32 $0xFFFFC000  }
0x1c: {  	[spmem:s2] =	stream.indirect.scatter.add.f32 [tilespmem:s19], [sflag:$0x3], $0x80, s13, s22, $0xb8;
	[tilespmem:$0x1E400] =	vst v63  }
0x1d: {  	_ =	swait.ge [sflag:s20], $0x4000  }
0x1e: {  	[sflag:s20] =	ssyncset.done $0x0  }
0x1f: {  	[sflag:s20] =	ssyncadd.s32 $0xFFFFC000  }
0x20: {  	[tilespmem:s19], [sflag:$0x1] =	stream.indirect.gather [hbm4b:s1+s22], $0x80, s31, s22, $0xb8;
	[tilespmem:$0x1E400] =	vst v63  }
0x21: {  	_ =	swait.ge [sflag:s26], $0x4000  }
0x22: {  	[sflag:s26] =	ssyncset.done $0x0  }
0x23: {  	s14 =	sadd.s32 $0x1380, s31;
	[sflag:s26] =	ssyncadd.s32 $0xFFFFC000  }
0x24: {  	[spmem:s2] =	stream.indirect.scatter.add.f32 [tilespmem:s24], [sflag:$0x3], $0x80, s14, s22, $0xb8;
	[tilespmem:$0x1E400] =	vst v63  }
0x25: {  	_ =	swait.ge [sflag:s20], $0x4000  }
0x26: {  	s13 =	simm.s32 $0x2780;
	[sflag:s20] =	ssyncset.done $0x0  }
0x27: {  	s31 =	simm.s32 $0x2700;
	s14 =	simm.s32 $0x1380;
	[sflag:s20] =	ssyncadd.s32 $0xFFFFC000  }
.LBB2_16:
0x28: {  	[tilespmem:s24], [sflag:$0x2] =	stream.indirect.gather [hbm4b:s1+s22], $0x80, s14, s22, $0xb8;
	[tilespmem:$0x1E400] =	vst v63  }
0x29: {  	_ =	swait.ge [sflag:s25], $0x4000  }
0x2a: {  	[sflag:s25] =	ssyncset.done $0x0  }
0x2b: {  	[sflag:s25] =	ssyncadd.s32 $0xFFFFC000  }
0x2c: {  	[spmem:s2] =	stream.indirect.scatter.add.f32 [tilespmem:s19], [sflag:$0x3], $0x80, s31, s22, $0xb8;
	[tilespmem:$0x1E400] =	vst v63  }
0x2d: {  	_ =	swait.ge [sflag:s20], $0x4000  }
0x2e: {  	[sflag:s20] =	ssyncset.done $0x0  }
0x2f: {  	[sflag:s20] =	ssyncadd.s32 $0xFFFFC000  }
0x30: {  	_ =	swait.ge [sflag:s26], $0x4000  }
0x31: {  	[sflag:s26] =	ssyncset.done $0x0  }
0x32: {  	[sflag:s26] =	ssyncadd.s32 $0xFFFFC000  }
0x33: {  	[spmem:s2] =	stream.indirect.scatter.add.f32 [tilespmem:s24], [sflag:$0x3], $0x80, s13, s22, $0xb8;
	[tilespmem:$0x1E400] =	vst v63  }
0x34: {  	_ =	swait.ge [sflag:s20], $0x4000  }
0x35: {  	[sflag:s20] =	ssyncset.done $0x0  }
0x36: {  	[sflag:s20] =	ssyncadd.s32 $0xFFFFC000  }
.LBB2_17:
0x37: {  	s0 =	sadd.s32 $0x1, s0  }
0x38: {  	s8 =	sshll.u32 s4, $0x6;
	[bflag:$0x0] =	sbarrier.arrive $0xFFFF;
	p2 =	sne.s32 s0, s18  }
.Ltmp1:
0x39: {  	s9 =	sshrl.u32 s5, $0x3;
	s8 =	sor.u32 $0x1C03, s8;
	(pc) =	sbr.rel @!p2 .LBB2_18-.Ltmp1, $4  }
0x3a: {  	[hbm:s23], [sflag:s8] =	dma.local [spmem:s9], $0x2780  }
0x3b: {  	_ =	swait.ge [sflag:s20], $0x2780  }
0x3c: {  	[sflag:s20] =	ssyncset.done $0x0  }
0x3d: {  	[sflag:s20] =	ssyncadd.s32 $0xFFFFD880  }
.LBB2_1:
0x3e: {  	s31 =	simm.s32 $0x0;
	s13 =	simm.s32 $0x200  }
.LBB2_2:
0x3f: {  	p2 =	sne.s32 s13, $0x1FE00;
	[tilespmem:s31+$0x2870] =	vst v0  }
0x40: {  	[tilespmem:s31+$0x2800] =	vst v0  }
0x41: {  	[tilespmem:s31+$0x2810] =	vst v0  }
.Ltmp2:
0x42: {  	[tilespmem:s31+$0x2820] =	vst v0;
	(pc) =	sbr.rel @p2 .LBB2_2-.Ltmp2, $4  }
0x43: {  	[tilespmem:s31+$0x2830] =	vst v0  }
0x44: {  	[tilespmem:s31+$0x2840] =	vst v0  }
0x45: {  	[tilespmem:s31+$0x2850] =	vst v0  }
0x46: {  	[tilespmem:s31+$0x2860] =	vst v0;
	s31 =	sshra.s32 s13, $0x2;
	s13 =	sadd.s32 $0x200, s13  }
0x47: {  	[tilespmem:s31+$0x2870] =	vst v0  }
0x48: {  	[tilespmem:s31+$0x2800] =	vst v0  }
0x49: {  	[tilespmem:s31+$0x2810] =	vst v0  }
0x4a: {  	[tilespmem:s31+$0x2820] =	vst v0  }
0x4b: {  	[tilespmem:s31+$0x2830] =	vst v0  }
0x4c: {  	[tilespmem:s31+$0x2840] =	vst v0  }
0x4d: {  	[tilespmem:s31+$0x2850] =	vst v0  }
0x4e: {  	[tilespmem:s31+$0x2860] =	vst v0  }
0x4f: {  	[spmem:s5] =	stream.linear.scatter [tilespmem:s19], [sflag:$0x3], $0x8000, $0x38;
	[tilespmem:$0x1E400] =	vst v63  }
0x50: {  	_ =	swait.ge [sflag:s20], $0x8000  }
0x51: {  	[sflag:s20] =	ssyncset.done $0x0  }
0x52: {  	[sflag:s20] =	ssyncadd.s32 $0xFFFF8000  }
0x53: {  	[spmem:s6] =	stream.linear.scatter [tilespmem:s19], [sflag:$0x3], $0x8000, $0x38;
	[tilespmem:$0x1E400] =	vst v63  }
0x54: {  	_ =	swait.ge [sflag:s20], $0x8000  }
0x55: {  	[sflag:s20] =	ssyncset.done $0x0  }
0x56: {  	[sflag:s20] =	ssyncadd.s32 $0xFFFF8000  }
0x57: {  	[spmem:s7] =	stream.linear.scatter [tilespmem:s19], [sflag:$0x3], $0x3C00, $0x38;
	[tilespmem:$0x1E400] =	vst v63  }
.Ltmp3:
0x58: {  	_ =	swait.ge [sflag:s20], $0x3C00;
	(pc) =	sbr.rel @p0 .LBB2_10-.Ltmp3, $3  }
0x59: {  	[sflag:s20] =	ssyncset.done $0x0  }
0x5a: {  	[sflag:s20] =	ssyncadd.s32 $0xFFFFC400  }
0x5b: {  	[bflag:$0x0] =	sbarrier.arrive $0xFFFF;
	_ =	sdelay $0x1  }
0x5c: {  	[tilespmem:s3], [sflag:$0x3] =	stream.linear.gather [hbm4b:s15+s3], $0x1400, $0x38;
	[tilespmem:$0x1E400] =	vst v63  }
0x5d: {  	_ =	swait.ge [sflag:s20], $0x1400  }
0x5e: {  	[sflag:s20] =	ssyncset.done $0x0  }
0x5f: {  	[sflag:s20] =	ssyncadd.s32 $0xFFFFEC00  }
0x60: {  	[tilespmem:s21], [sflag:$0x3] =	stream.linear.gather [hbm4b:s12+s3], $0x1400, $0x38;
	[tilespmem:$0x1E400] =	vst v63  }
0x61: {  	_ =	swait.ge [sflag:s20], $0x1400  }
0x62: {  	[sflag:s20] =	ssyncset.done $0x0  }
0x63: {  	[sflag:s20] =	ssyncadd.s32 $0xFFFFEC00  }
0x64: {  	[tilespmem:s19], [sflag:$0x1] =	stream.indirect.gather [hbm4b:s1+s22], $0x80, s3, s22, $0xb8;
	[tilespmem:$0x1E400] =	vst v63  }
0x65: {  	s13 =	simm.s32 $0x80  }
0x66: {  	[tilespmem:s24], [sflag:$0x2] =	stream.indirect.gather [hbm4b:s1+s22], $0x80, s13, s22, $0xb8;
	[tilespmem:$0x1E400] =	vst v63  }
0x67: {  	_ =	swait.ge [sflag:s25], $0x4000  }
0x68: {  	[sflag:s25] =	ssyncset.done $0x0  }
0x69: {  	s8 =	simm.s32 $0x1400;
	[sflag:s25] =	ssyncadd.s32 $0xFFFFC000  }
0x6a: {  	[spmem:s2] =	stream.indirect.scatter.add.f32 [tilespmem:s19], [sflag:$0x3], $0x80, s8, s22, $0xb8;
	[tilespmem:$0x1E400] =	vst v63  }
0x6b: {  	_ =	swait.ge [sflag:s20], $0x4000  }
0x6c: {  	[sflag:s20] =	ssyncset.done $0x0  }
0x6d: {  	s9 =	simm.s32 $0x100;
	[sflag:s20] =	ssyncadd.s32 $0xFFFFC000  }
0x6e: {  	[tilespmem:s19], [sflag:$0x1] =	stream.indirect.gather [hbm4b:s1+s22], $0x80, s9, s22, $0xb8;
	[tilespmem:$0x1E400] =	vst v63  }
0x6f: {  	_ =	swait.ge [sflag:s26], $0x4000  }
0x70: {  	[sflag:s26] =	ssyncset.done $0x0  }
0x71: {  	s14 =	simm.s32 $0x1480;
	[sflag:s26] =	ssyncadd.s32 $0xFFFFC000  }
0x72: {  	[spmem:s2] =	stream.indirect.scatter.add.f32 [tilespmem:s24], [sflag:$0x3], $0x80, s14, s22, $0xb8;
	[tilespmem:$0x1E400] =	vst v63  }
0x73: {  	_ =	swait.ge [sflag:s20], $0x4000  }
0x74: {  	s31 =	simm.s32 $0x200;
	s13 =	simm.s32 $0xC00;
	[sflag:s20] =	ssyncset.done $0x0  }
.LBB2_5:
0x75: {  	s14 =	sadd.s32 $0xFFFFFF80, s31  }
0x76: {  	[sflag:s20] =	ssyncadd.s32 $0xFFFFC000;
	s8 =	smov.u32 s13;
	s9 =	sadd.s32 $0x400, s13  }
0x77: {  	[tilespmem:s24], [sflag:$0x2] =	stream.indirect.gather [hbm4b:s1+s22], $0x80, s14, s22, $0xb8;
	[tilespmem:$0x1E400] =	vst v63  }
0x78: {  	p2 =	sne.s32 s13, $0x4C00;
	_ =	swait.ge [sflag:s25], $0x4000  }
0x79: {  	[sflag:s25] =	ssyncset.done $0x0  }
0x7a: {  	s13 =	sadd.s32 $0x1300, s31;
	[sflag:s25] =	ssyncadd.s32 $0xFFFFC000  }
0x7b: {  	[spmem:s2] =	stream.indirect.scatter.add.f32 [tilespmem:s19], [sflag:$0x3], $0x80, s13, s22, $0xb8;
	[tilespmem:$0x1E400] =	vst v63  }
0x7c: {  	_ =	swait.ge [sflag:s20], $0x4000  }
0x7d: {  	[sflag:s20] =	ssyncset.done $0x0  }
0x7e: {  	[sflag:s20] =	ssyncadd.s32 $0xFFFFC000  }
0x7f: {  	[tilespmem:s19], [sflag:$0x1] =	stream.indirect.gather [hbm4b:s1+s22], $0x80, s31, s22, $0xb8;
	[tilespmem:$0x1E400] =	vst v63  }
0x80: {  	_ =	swait.ge [sflag:s26], $0x4000  }
.Ltmp4:
0x81: {  	[sflag:s26] =	ssyncset.done $0x0;
	(pc) =	sbr.rel @p2 .LBB2_5-.Ltmp4, $4  }
0x82: {  	s13 =	sadd.s32 $0x1380, s31;
	[sflag:s26] =	ssyncadd.s32 $0xFFFFC000  }
0x83: {  	[spmem:s2] =	stream.indirect.scatter.add.f32 [tilespmem:s24], [sflag:$0x3], $0x80, s13, s22, $0xb8;
	[tilespmem:$0x1E400] =	vst v63  }
0x84: {  	_ =	swait.ge [sflag:s20], $0x4000  }
0x85: {  	s31 =	sshra.s32 s8, $0x2;
	s13 =	smov.u32 s9;
	[sflag:s20] =	ssyncset.done $0x0  }
0x86: {  	s8 =	sadd.s32 $0xFFFFFF80, s31;
	[sflag:s20] =	ssyncadd.s32 $0xFFFFC000  }
0x87: {  	[tilespmem:s24], [sflag:$0x2] =	stream.indirect.gather [hbm4b:s1+s22], $0x80, s8, s22, $0xb8;
	[tilespmem:$0x1E400] =	vst v63  }
0x88: {  	_ =	swait.ge [sflag:s25], $0x4000  }
0x89: {  	[sflag:s25] =	ssyncset.done $0x0  }
0x8a: {  	s13 =	sadd.s32 $0x1300, s31;
	[sflag:s25] =	ssyncadd.s32 $0xFFFFC000  }
0x8b: {  	[spmem:s2] =	stream.indirect.scatter.add.f32 [tilespmem:s19], [sflag:$0x3], $0x80, s13, s22, $0xb8;
	[tilespmem:$0x1E400] =	vst v63  }
0x8c: {  	_ =	swait.ge [sflag:s20], $0x4000  }
0x8d: {  	[sflag:s20] =	ssyncset.done $0x0  }
0x8e: {  	[sflag:s20] =	ssyncadd.s32 $0xFFFFC000  }
0x8f: {  	[tilespmem:s19], [sflag:$0x1] =	stream.indirect.gather [hbm4b:s1+s22], $0x80, s31, s22, $0xb8;
	[tilespmem:$0x1E400] =	vst v63  }
0x90: {  	_ =	swait.ge [sflag:s26], $0x4000  }
0x91: {  	[sflag:s26] =	ssyncset.done $0x0  }
0x92: {  	s14 =	sadd.s32 $0x1380, s31;
	[sflag:s26] =	ssyncadd.s32 $0xFFFFC000  }
0x93: {  	[spmem:s2] =	stream.indirect.scatter.add.f32 [tilespmem:s24], [sflag:$0x3], $0x80, s14, s22, $0xb8;
	[tilespmem:$0x1E400] =	vst v63  }
0x94: {  	_ =	swait.ge [sflag:s20], $0x4000  }
0x95: {  	[sflag:s20] =	ssyncset.done $0x0  }
0x96: {  	[sflag:s20] =	ssyncadd.s32 $0xFFFFC000  }
0x97: {  	[tilespmem:s24], [sflag:$0x2] =	stream.indirect.gather [hbm4b:s1+s22], $0x80, s28, s22, $0xb8;
	[tilespmem:$0x1E400] =	vst v63  }
0x98: {  	_ =	swait.ge [sflag:s25], $0x4000  }
0x99: {  	[sflag:s25] =	ssyncset.done $0x0  }
0x9a: {  	[sflag:s25] =	ssyncadd.s32 $0xFFFFC000  }
0x9b: {  	[spmem:s2] =	stream.indirect.scatter.add.f32 [tilespmem:s19], [sflag:$0x3], $0x80, s29, s22, $0xb8;
	[tilespmem:$0x1E400] =	vst v63  }
0x9c: {  	_ =	swait.ge [sflag:s20], $0x4000  }
0x9d: {  	[sflag:s20] =	ssyncset.done $0x0  }
0x9e: {  	[sflag:s20] =	ssyncadd.s32 $0xFFFFC000  }
0x9f: {  	_ =	swait.ge [sflag:s26], $0x4000  }
0xa0: {  	[sflag:s26] =	ssyncset.done $0x0  }
0xa1: {  	[sflag:s26] =	ssyncadd.s32 $0xFFFFC000  }
0xa2: {  	[spmem:s2] =	stream.indirect.scatter.add.f32 [tilespmem:s24], [sflag:$0x3], $0x80, s30, s22, $0xb8;
	[tilespmem:$0x1E400] =	vst v63  }
0xa3: {  	_ =	swait.ge [sflag:s20], $0x4000  }
0xa4: {  	[sflag:s20] =	ssyncset.done $0x0  }
0xa5: {  	[sflag:s20] =	ssyncadd.s32 $0xFFFFC000  }
0xa6: {  	[tilespmem:s3], [sflag:$0x3] =	stream.linear.gather [hbm4b:s16+s3], $0x1400, $0x38;
	[tilespmem:$0x1E400] =	vst v63  }
0xa7: {  	_ =	swait.ge [sflag:s20], $0x1400  }
0xa8: {  	[sflag:s20] =	ssyncset.done $0x0  }
0xa9: {  	p3 =	por $0x0, $0x0;
	[sflag:s20] =	ssyncadd.s32 $0xFFFFEC00  }
0xaa: {  	[tilespmem:s21], [sflag:$0x3] =	stream.linear.gather [hbm4b:s17+s3], $0x1400, $0x38;
	[tilespmem:$0x1E400] =	vst v63  }
.Ltmp5:
0xab: {  	_ = 	snop;
	(pc) =	sbr.rel @p3 .LBB2_9-.Ltmp5, $4  }
0xac: {  	_ =	swait.ge [sflag:s20], $0x1400  }
0xad: {  	[sflag:s20] =	ssyncset.done $0x0  }
0xae: {  	p2 =	por $0x0, $0x0;
	s31 =	simm.s32 $0x100;
	[sflag:s20] =	ssyncadd.s32 $0xFFFFEC00  }
0xaf: {  	[tilespmem:s19], [sflag:$0x1] =	stream.indirect.gather [hbm4b:s1+s22], $0x80, s3, s22, $0xb8;
	[tilespmem:$0x1E400] =	vst v63  }
0xb0: {  	s8 =	simm.s32 $0x80  }
0xb1: {  	[tilespmem:s24], [sflag:$0x2] =	stream.indirect.gather [hbm4b:s1+s22], $0x80, s8, s22, $0xb8;
	[tilespmem:$0x1E400] =	vst v63  }
0xb2: {  	_ =	swait.ge [sflag:s25], $0x4000  }
0xb3: {  	[sflag:s25] =	ssyncset.done $0x0  }
0xb4: {  	s13 =	simm.s32 $0x1400;
	[sflag:s25] =	ssyncadd.s32 $0xFFFFC000  }
0xb5: {  	[spmem:s2] =	stream.indirect.scatter.add.f32 [tilespmem:s19], [sflag:$0x3], $0x80, s13, s22, $0xb8;
	[tilespmem:$0x1E400] =	vst v63  }
0xb6: {  	_ =	swait.ge [sflag:s20], $0x4000  }
0xb7: {  	[sflag:s20] =	ssyncset.done $0x0  }
0xb8: {  	[sflag:s20] =	ssyncadd.s32 $0xFFFFC000  }
0xb9: {  	[tilespmem:s19], [sflag:$0x1] =	stream.indirect.gather [hbm4b:s1+s22], $0x80, s31, s22, $0xb8;
	[tilespmem:$0x1E400] =	vst v63  }
0xba: {  	p3 =	por $0x0, $0x0;
	_ =	swait.ge [sflag:s26], $0x4000  }
.Ltmp6:
0xbb: {  	[sflag:s26] =	ssyncset.done $0x0;
	(pc) =	sbr.rel @p3 .LBB2_9-.Ltmp6, $4  }
0xbc: {  	s14 =	simm.s32 $0x1480;
	[sflag:s26] =	ssyncadd.s32 $0xFFFFC000  }
0xbd: {  	[spmem:s2] =	stream.indirect.scatter.add.f32 [tilespmem:s24], [sflag:$0x3], $0x80, s14, s22, $0xb8;
	[tilespmem:$0x1E400] =	vst v63  }
0xbe: {  	p2 =	por $0x1, $0x1;
	_ =	swait.ge [sflag:s20], $0x4000  }
0xbf: {  	s13 =	simm.s32 $0xC00;
	s31 =	simm.s32 $0x200;
	[sflag:s20] =	ssyncset.done $0x0  }
.LBB2_8:
0xc0: {  	s8 =	sadd.s32 $0xFFFFFF80, s31  }
0xc1: {  	[sflag:s20] =	ssyncadd.s32 $0xFFFFC000;
	s9 =	smov.u32 s13;
	s14 =	sadd.s32 $0x400, s13  }
0xc2: {  	[tilespmem:s24], [sflag:$0x2] =	stream.indirect.gather [hbm4b:s1+s22], $0x80, s8, s22, $0xb8;
	[tilespmem:$0x1E400] =	vst v63  }
0xc3: {  	p3 =	seq.s32 s13, $0x4C00;
	_ =	swait.ge [sflag:s25], $0x4000  }
0xc4: {  	[sflag:s25] =	ssyncset.done $0x0  }
0xc5: {  	s8 =	sadd.s32 $0x1300, s31;
	[sflag:s25] =	ssyncadd.s32 $0xFFFFC000  }
0xc6: {  	[spmem:s2] =	stream.indirect.scatter.add.f32 [tilespmem:s19], [sflag:$0x3], $0x80, s8, s22, $0xb8;
	[tilespmem:$0x1E400] =	vst v63  }
0xc7: {  	_ =	swait.ge [sflag:s20], $0x4000  }
0xc8: {  	[sflag:s20] =	ssyncset.done $0x0  }
0xc9: {  	[sflag:s20] =	ssyncadd.s32 $0xFFFFC000  }
0xca: {  	[tilespmem:s19], [sflag:$0x1] =	stream.indirect.gather [hbm4b:s1+s22], $0x80, s31, s22, $0xb8;
	[tilespmem:$0x1E400] =	vst v63  }
0xcb: {  	_ =	swait.ge [sflag:s26], $0x4000  }
.Ltmp7:
0xcc: {  	[sflag:s26] =	ssyncset.done $0x0;
	(pc) =	sbr.rel @!p3 .LBB2_8-.Ltmp7, $4  }
0xcd: {  	s8 =	sadd.s32 $0x1380, s31;
	[sflag:s26] =	ssyncadd.s32 $0xFFFFC000  }
0xce: {  	[spmem:s2] =	stream.indirect.scatter.add.f32 [tilespmem:s24], [sflag:$0x3], $0x80, s8, s22, $0xb8;
	[tilespmem:$0x1E400] =	vst v63  }
0xcf: {  	_ =	swait.ge [sflag:s20], $0x4000  }
0xd0: {  	s13 =	smov.u32 s14;
	s31 =	sshra.s32 s9, $0x2;
	[sflag:s20] =	ssyncset.done $0x0  }
.Ltmp8:
0xd1: {  	_ = 	snop;
	(pc) =	sbr.rel .LBB2_9-.Ltmp8, $1  }
0xd2: {  	_ =	sdelay $0x3  }
.LBB2_10:
0xd3: {  	s8 =	rddreg [dreg:$0x5]  }
0xd4: {  	[tilespmem:s3], [sflag:$0x3] =	stream.linear.gather [hbm4b:s8+s3], $0x1400, $0x38;
	[tilespmem:$0x1E400] =	vst v63  }
0xd5: {  	_ =	swait.ge [sflag:s20], $0x1400  }
0xd6: {  	[sflag:s20] =	ssyncset.done $0x0  }
0xd7: {  	s13 =	rddreg [dreg:$0x6];
	[sflag:s20] =	ssyncadd.s32 $0xFFFFEC00  }
0xd8: {  	[tilespmem:s21], [sflag:$0x3] =	stream.linear.gather [hbm4b:s13+s3], $0x1400, $0x38;
	[tilespmem:$0x1E400] =	vst v63  }
0xd9: {  	_ =	swait.ge [sflag:s20], $0x1400  }
0xda: {  	[sflag:s20] =	ssyncset.done $0x0  }
0xdb: {  	[sflag:s20] =	ssyncadd.s32 $0xFFFFEC00  }
0xdc: {  	[tilespmem:s19], [sflag:$0x1] =	stream.indirect.gather [hbm4b:s1+s22], $0x80, s3, s22, $0xb8;
	[tilespmem:$0x1E400] =	vst v63  }
0xdd: {  	s14 =	simm.s32 $0x80  }
0xde: {  	[tilespmem:s24], [sflag:$0x2] =	stream.indirect.gather [hbm4b:s1+s22], $0x80, s14, s22, $0xb8;
	[tilespmem:$0x1E400] =	vst v63  }
0xdf: {  	_ =	swait.ge [sflag:s25], $0x4000  }
0xe0: {  	[sflag:s25] =	ssyncset.done $0x0  }
0xe1: {  	s9 =	simm.s32 $0x1400;
	[sflag:s25] =	ssyncadd.s32 $0xFFFFC000  }
0xe2: {  	[spmem:s2] =	stream.indirect.scatter.add.f32 [tilespmem:s19], [sflag:$0x3], $0x80, s9, s22, $0xb8;
	[tilespmem:$0x1E400] =	vst v63  }
0xe3: {  	_ =	swait.ge [sflag:s20], $0x4000  }
0xe4: {  	[sflag:s20] =	ssyncset.done $0x0  }
0xe5: {  	s13 =	simm.s32 $0x100;
	[sflag:s20] =	ssyncadd.s32 $0xFFFFC000  }
0xe6: {  	[tilespmem:s19], [sflag:$0x1] =	stream.indirect.gather [hbm4b:s1+s22], $0x80, s13, s22, $0xb8;
	[tilespmem:$0x1E400] =	vst v63  }
0xe7: {  	_ =	swait.ge [sflag:s26], $0x4000  }
0xe8: {  	[sflag:s26] =	ssyncset.done $0x0  }
0xe9: {  	s14 =	simm.s32 $0x1480;
	[sflag:s26] =	ssyncadd.s32 $0xFFFFC000  }
0xea: {  	[spmem:s2] =	stream.indirect.scatter.add.f32 [tilespmem:s24], [sflag:$0x3], $0x80, s14, s22, $0xb8;
	[tilespmem:$0x1E400] =	vst v63  }
0xeb: {  	_ =	swait.ge [sflag:s20], $0x4000  }
0xec: {  	s31 =	simm.s32 $0x200;
	s13 =	simm.s32 $0xC00;
	[sflag:s20] =	ssyncset.done $0x0  }
.LBB2_11:
0xed: {  	s8 =	sadd.s32 $0xFFFFFF80, s31  }
0xee: {  	[sflag:s20] =	ssyncadd.s32 $0xFFFFC000;
	s9 =	smov.u32 s13;
	s14 =	sadd.s32 $0x400, s13  }
0xef: {  	[tilespmem:s24], [sflag:$0x2] =	stream.indirect.gather [hbm4b:s1+s22], $0x80, s8, s22, $0xb8;
	[tilespmem:$0x1E400] =	vst v63  }
0xf0: {  	p2 =	sne.s32 s13, $0x4C00;
	_ =	swait.ge [sflag:s25], $0x4000  }
0xf1: {  	[sflag:s25] =	ssyncset.done $0x0  }
0xf2: {  	s8 =	sadd.s32 $0x1300, s31;
	[sflag:s25] =	ssyncadd.s32 $0xFFFFC000  }
0xf3: {  	[spmem:s2] =	stream.indirect.scatter.add.f32 [tilespmem:s19], [sflag:$0x3], $0x80, s8, s22, $0xb8;
	[tilespmem:$0x1E400] =	vst v63  }
0xf4: {  	_ =	swait.ge [sflag:s20], $0x4000  }
0xf5: {  	[sflag:s20] =	ssyncset.done $0x0  }
0xf6: {  	[sflag:s20] =	ssyncadd.s32 $0xFFFFC000  }
0xf7: {  	[tilespmem:s19], [sflag:$0x1] =	stream.indirect.gather [hbm4b:s1+s22], $0x80, s31, s22, $0xb8;
	[tilespmem:$0x1E400] =	vst v63  }
0xf8: {  	_ =	swait.ge [sflag:s26], $0x4000  }
.Ltmp9:
0xf9: {  	[sflag:s26] =	ssyncset.done $0x0;
	(pc) =	sbr.rel @p2 .LBB2_11-.Ltmp9, $4  }
0xfa: {  	s8 =	sadd.s32 $0x1380, s31;
	[sflag:s26] =	ssyncadd.s32 $0xFFFFC000  }
0xfb: {  	[spmem:s2] =	stream.indirect.scatter.add.f32 [tilespmem:s24], [sflag:$0x3], $0x80, s8, s22, $0xb8;
	[tilespmem:$0x1E400] =	vst v63  }
0xfc: {  	_ =	swait.ge [sflag:s20], $0x4000  }
0xfd: {  	s13 =	smov.u32 s14;
	s31 =	sshra.s32 s9, $0x2;
	[sflag:s20] =	ssyncset.done $0x0  }
0xfe: {  	s8 =	sadd.s32 $0xFFFFFF80, s31;
	[sflag:s20] =	ssyncadd.s32 $0xFFFFC000  }
0xff: {  	[tilespmem:s24], [sflag:$0x2] =	stream.indirect.gather [hbm4b:s1+s22], $0x80, s8, s22, $0xb8;
	[tilespmem:$0x1E400] =	vst v63  }
0x100: {  	_ =	swait.ge [sflag:s25], $0x4000  }
0x101: {  	[sflag:s25] =	ssyncset.done $0x0  }
0x102: {  	s9 =	sadd.s32 $0x1300, s31;
	[sflag:s25] =	ssyncadd.s32 $0xFFFFC000  }
0x103: {  	[spmem:s2] =	stream.indirect.scatter.add.f32 [tilespmem:s19], [sflag:$0x3], $0x80, s9, s22, $0xb8;
	[tilespmem:$0x1E400] =	vst v63  }
0x104: {  	_ =	swait.ge [sflag:s20], $0x4000  }
0x105: {  	[sflag:s20] =	ssyncset.done $0x0  }
0x106: {  	[sflag:s20] =	ssyncadd.s32 $0xFFFFC000  }
0x107: {  	[tilespmem:s19], [sflag:$0x1] =	stream.indirect.gather [hbm4b:s1+s22], $0x80, s31, s22, $0xb8;
	[tilespmem:$0x1E400] =	vst v63  }
0x108: {  	_ =	swait.ge [sflag:s26], $0x4000  }
0x109: {  	[sflag:s26] =	ssyncset.done $0x0  }
0x10a: {  	s13 =	sadd.s32 $0x1380, s31;
	[sflag:s26] =	ssyncadd.s32 $0xFFFFC000  }
0x10b: {  	[spmem:s2] =	stream.indirect.scatter.add.f32 [tilespmem:s24], [sflag:$0x3], $0x80, s13, s22, $0xb8;
	[tilespmem:$0x1E400] =	vst v63  }
0x10c: {  	_ =	swait.ge [sflag:s20], $0x4000  }
0x10d: {  	[sflag:s20] =	ssyncset.done $0x0  }
0x10e: {  	[sflag:s20] =	ssyncadd.s32 $0xFFFFC000  }
0x10f: {  	[tilespmem:s24], [sflag:$0x2] =	stream.indirect.gather [hbm4b:s1+s22], $0x80, s28, s22, $0xb8;
	[tilespmem:$0x1E400] =	vst v63  }
0x110: {  	_ =	swait.ge [sflag:s25], $0x4000  }
0x111: {  	[sflag:s25] =	ssyncset.done $0x0  }
0x112: {  	[sflag:s25] =	ssyncadd.s32 $0xFFFFC000  }
0x113: {  	[spmem:s2] =	stream.indirect.scatter.add.f32 [tilespmem:s19], [sflag:$0x3], $0x80, s29, s22, $0xb8;
	[tilespmem:$0x1E400] =	vst v63  }
0x114: {  	_ =	swait.ge [sflag:s20], $0x4000  }
0x115: {  	[sflag:s20] =	ssyncset.done $0x0  }
0x116: {  	[sflag:s20] =	ssyncadd.s32 $0xFFFFC000  }
0x117: {  	_ =	swait.ge [sflag:s26], $0x4000  }
0x118: {  	[sflag:s26] =	ssyncset.done $0x0  }
0x119: {  	[sflag:s26] =	ssyncadd.s32 $0xFFFFC000  }
0x11a: {  	[spmem:s2] =	stream.indirect.scatter.add.f32 [tilespmem:s24], [sflag:$0x3], $0x80, s30, s22, $0xb8;
	[tilespmem:$0x1E400] =	vst v63  }
0x11b: {  	_ =	swait.ge [sflag:s20], $0x4000  }
0x11c: {  	[sflag:s20] =	ssyncset.done $0x0  }
0x11d: {  	[sflag:s20] =	ssyncadd.s32 $0xFFFFC000  }
0x11e: {  	[tilespmem:s3], [sflag:$0x3] =	stream.linear.gather [hbm4b:s10+s3], $0x1000, $0x38;
	[tilespmem:$0x1E400] =	vst v63  }
0x11f: {  	_ =	swait.ge [sflag:s20], $0x1000  }
0x120: {  	[sflag:s20] =	ssyncset.done $0x0  }
0x121: {  	[sflag:s20] =	ssyncadd.s32 $0xFFFFF000  }
0x122: {  	[tilespmem:s21], [sflag:$0x3] =	stream.linear.gather [hbm4b:s11+s3], $0x1000, $0x38;
	[tilespmem:$0x1E400] =	vst v63  }
0x123: {  	_ =	swait.ge [sflag:s20], $0x1000  }
0x124: {  	[sflag:s20] =	ssyncset.done $0x0  }
0x125: {  	[sflag:s20] =	ssyncadd.s32 $0xFFFFF000  }
0x126: {  	[tilespmem:s19], [sflag:$0x1] =	stream.indirect.gather [hbm4b:s1+s22], $0x80, s3, s22, $0xb8;
	[tilespmem:$0x1E400] =	vst v63  }
0x127: {  	s14 =	simm.s32 $0x80  }
0x128: {  	[tilespmem:s24], [sflag:$0x2] =	stream.indirect.gather [hbm4b:s1+s22], $0x80, s14, s22, $0xb8;
	[tilespmem:$0x1E400] =	vst v63  }
0x129: {  	_ =	swait.ge [sflag:s25], $0x4000  }
0x12a: {  	[sflag:s25] =	ssyncset.done $0x0  }
0x12b: {  	s9 =	simm.s32 $0x1400;
	[sflag:s25] =	ssyncadd.s32 $0xFFFFC000  }
0x12c: {  	[spmem:s2] =	stream.indirect.scatter.add.f32 [tilespmem:s19], [sflag:$0x3], $0x80, s9, s22, $0xb8;
	[tilespmem:$0x1E400] =	vst v63  }
0x12d: {  	_ =	swait.ge [sflag:s20], $0x4000  }
0x12e: {  	[sflag:s20] =	ssyncset.done $0x0  }
0x12f: {  	s13 =	simm.s32 $0x100;
	[sflag:s20] =	ssyncadd.s32 $0xFFFFC000  }
0x130: {  	[tilespmem:s19], [sflag:$0x1] =	stream.indirect.gather [hbm4b:s1+s22], $0x80, s13, s22, $0xb8;
	[tilespmem:$0x1E400] =	vst v63  }
0x131: {  	_ =	swait.ge [sflag:s26], $0x4000  }
0x132: {  	[sflag:s26] =	ssyncset.done $0x0  }
0x133: {  	s14 =	simm.s32 $0x1480;
	[sflag:s26] =	ssyncadd.s32 $0xFFFFC000  }
0x134: {  	[spmem:s2] =	stream.indirect.scatter.add.f32 [tilespmem:s24], [sflag:$0x3], $0x80, s14, s22, $0xb8;
	[tilespmem:$0x1E400] =	vst v63  }
0x135: {  	_ =	swait.ge [sflag:s20], $0x4000  }
0x136: {  	s31 =	simm.s32 $0xFFFFF200;
	s13 =	simm.s32 $0xFFFFCC00;
	[sflag:s20] =	ssyncset.done $0x0  }
.LBB2_13:
0x137: {  	s8 =	sadd.s32 $0xF80, s31  }
0x138: {  	[sflag:s20] =	ssyncadd.s32 $0xFFFFC000;
	s9 =	smov.u32 s13;
	s14 =	sadd.s32 $0x400, s13  }
0x139: {  	[tilespmem:s24], [sflag:$0x2] =	stream.indirect.gather [hbm4b:s1+s22], $0x80, s8, s22, $0xb8;
	[tilespmem:$0x1E400] =	vst v63  }
0x13a: {  	p2 =	sne.s32 s13, $0xFFFFFC00;
	_ =	swait.ge [sflag:s25], $0x4000  }
0x13b: {  	[sflag:s25] =	ssyncset.done $0x0  }
0x13c: {  	s8 =	sadd.s32 $0x2300, s31;
	[sflag:s25] =	ssyncadd.s32 $0xFFFFC000  }
0x13d: {  	[spmem:s2] =	stream.indirect.scatter.add.f32 [tilespmem:s19], [sflag:$0x3], $0x80, s8, s22, $0xb8;
	[tilespmem:$0x1E400] =	vst v63  }
0x13e: {  	_ =	swait.ge [sflag:s20], $0x4000  }
0x13f: {  	[sflag:s20] =	ssyncset.done $0x0  }
0x140: {  	s8 =	sadd.s32 $0x1000, s31;
	[sflag:s20] =	ssyncadd.s32 $0xFFFFC000  }
0x141: {  	[tilespmem:s19], [sflag:$0x1] =	stream.indirect.gather [hbm4b:s1+s22], $0x80, s8, s22, $0xb8;
	[tilespmem:$0x1E400] =	vst v63  }
0x142: {  	_ =	swait.ge [sflag:s26], $0x4000  }
.Ltmp10:
0x143: {  	[sflag:s26] =	ssyncset.done $0x0;
	(pc) =	sbr.rel @p2 .LBB2_13-.Ltmp10, $4  }
0x144: {  	s8 =	sadd.s32 $0x2380, s31;
	[sflag:s26] =	ssyncadd.s32 $0xFFFFC000  }
0x145: {  	[spmem:s2] =	stream.indirect.scatter.add.f32 [tilespmem:s24], [sflag:$0x3], $0x80, s8, s22, $0xb8;
	[tilespmem:$0x1E400] =	vst v63  }
0x146: {  	_ =	swait.ge [sflag:s20], $0x4000  }
0x147: {  	s13 =	smov.u32 s14;
	s31 =	sshra.s32 s9, $0x2;
	[sflag:s20] =	ssyncset.done $0x0  }
0x148: {  	s8 =	sadd.s32 $0xF80, s31;
	[sflag:s20] =	ssyncadd.s32 $0xFFFFC000  }
0x149: {  	[tilespmem:s24], [sflag:$0x2] =	stream.indirect.gather [hbm4b:s1+s22], $0x80, s8, s22, $0xb8;
	[tilespmem:$0x1E400] =	vst v63  }
0x14a: {  	_ =	swait.ge [sflag:s25], $0x4000  }
0x14b: {  	[sflag:s25] =	ssyncset.done $0x0  }
0x14c: {  	s13 =	sadd.s32 $0x2300, s31;
	[sflag:s25] =	ssyncadd.s32 $0xFFFFC000  }
0x14d: {  	[spmem:s2] =	stream.indirect.scatter.add.f32 [tilespmem:s19], [sflag:$0x3], $0x80, s13, s22, $0xb8;
	[tilespmem:$0x1E400] =	vst v63  }
0x14e: {  	_ =	swait.ge [sflag:s20], $0x4000  }
0x14f: {  	[sflag:s20] =	ssyncset.done $0x0  }
0x150: {  	s14 =	sadd.s32 $0x1000, s31;
	[sflag:s20] =	ssyncadd.s32 $0xFFFFC000  }
0x151: {  	[tilespmem:s19], [sflag:$0x1] =	stream.indirect.gather [hbm4b:s1+s22], $0x80, s14, s22, $0xb8;
	[tilespmem:$0x1E400] =	vst v63  }
0x152: {  	_ =	swait.ge [sflag:s26], $0x4000  }
0x153: {  	[sflag:s26] =	ssyncset.done $0x0  }
0x154: {  	s9 =	sadd.s32 $0x2380, s31;
	[sflag:s26] =	ssyncadd.s32 $0xFFFFC000  }
0x155: {  	[spmem:s2] =	stream.indirect.scatter.add.f32 [tilespmem:s24], [sflag:$0x3], $0x80, s9, s22, $0xb8;
	[tilespmem:$0x1E400] =	vst v63  }
0x156: {  	_ =	swait.ge [sflag:s20], $0x4000  }
0x157: {  	[sflag:s20] =	ssyncset.done $0x0  }
0x158: {  	s13 =	simm.s32 $0xF80;
	[sflag:s20] =	ssyncadd.s32 $0xFFFFC000  }
0x159: {  	[tilespmem:s24], [sflag:$0x2] =	stream.indirect.gather [hbm4b:s1+s22], $0x80, s13, s22, $0xb8;
	[tilespmem:$0x1E400] =	vst v63  }
0x15a: {  	_ =	swait.ge [sflag:s25], $0x4000  }
0x15b: {  	[sflag:s25] =	ssyncset.done $0x0  }
0x15c: {  	s14 =	simm.s32 $0x2300;
	[sflag:s25] =	ssyncadd.s32 $0xFFFFC000  }
0x15d: {  	[spmem:s2] =	stream.indirect.scatter.add.f32 [tilespmem:s19], [sflag:$0x3], $0x80, s14, s22, $0xb8;
	[tilespmem:$0x1E400] =	vst v63  }
0x15e: {  	_ =	swait.ge [sflag:s20], $0x4000  }
0x15f: {  	[sflag:s20] =	ssyncset.done $0x0  }
0x160: {  	[sflag:s20] =	ssyncadd.s32 $0xFFFFC000  }
0x161: {  	_ =	swait.ge [sflag:s26], $0x4000  }
0x162: {  	[sflag:s26] =	ssyncset.done $0x0  }
.Ltmp11:
0x163: {  	s31 =	simm.s32 $0x2380;
	[sflag:s26] =	ssyncadd.s32 $0xFFFFC000;
	(pc) =	sbr.rel @p1 .LBB2_17-.Ltmp11, $4  }
0x164: {  	[spmem:s2] =	stream.indirect.scatter.add.f32 [tilespmem:s24], [sflag:$0x3], $0x80, s31, s22, $0xb8;
	[tilespmem:$0x1E400] =	vst v63  }
0x165: {  	_ =	swait.ge [sflag:s20], $0x4000  }
0x166: {  	[sflag:s20] =	ssyncset.done $0x0  }
0x167: {  	[sflag:s20] =	ssyncadd.s32 $0xFFFFC000  }
0x168: {  	s8 =	rddreg [dreg:$0x7]  }
0x169: {  	[tilespmem:s3], [sflag:$0x3] =	stream.linear.gather [hbm4b:s8+s3], $0x200, $0x38;
	[tilespmem:$0x1E400] =	vst v63  }
0x16a: {  	_ =	swait.ge [sflag:s20], $0x200  }
0x16b: {  	[sflag:s20] =	ssyncset.done $0x0  }
0x16c: {  	s9 =	rddreg [dreg:$0x8];
	[sflag:s20] =	ssyncadd.s32 $0xFFFFFE00  }
0x16d: {  	[tilespmem:s21], [sflag:$0x3] =	stream.linear.gather [hbm4b:s9+s3], $0x200, $0x38;
	[tilespmem:$0x1E400] =	vst v63  }
0x16e: {  	_ =	swait.ge [sflag:s20], $0x200  }
0x16f: {  	[sflag:s20] =	ssyncset.done $0x0  }
0x170: {  	[sflag:s20] =	ssyncadd.s32 $0xFFFFFE00  }
0x171: {  	[tilespmem:s19], [sflag:$0x1] =	stream.indirect.gather [hbm4b:s1+s22], $0x80, s3, s22, $0xb8;
	[tilespmem:$0x1E400] =	vst v63  }
0x172: {  	_ = 	snop  }
0x173: {  	[tilespmem:s24], [sflag:$0x2] =	stream.indirect.gather [hbm4b:s1+s22], $0x80, s22, s22, $0xb8;
	[tilespmem:$0x1E400] =	vst v63  }
0x174: {  	_ =	swait.ge [sflag:s25], $0x4000  }
0x175: {  	[sflag:s25] =	ssyncset.done $0x0  }
0x176: {  	[sflag:s25] =	ssyncadd.s32 $0xFFFFC000  }
0x177: {  	[spmem:s2] =	stream.indirect.scatter.add.f32 [tilespmem:s19], [sflag:$0x3], $0x80, s21, s22, $0xb8;
	[tilespmem:$0x1E400] =	vst v63  }
0x178: {  	_ =	swait.ge [sflag:s20], $0x4000  }
0x179: {  	[sflag:s20] =	ssyncset.done $0x0  }
0x17a: {  	s13 =	simm.s32 $0x100;
	[sflag:s20] =	ssyncadd.s32 $0xFFFFC000  }
0x17b: {  	[tilespmem:s19], [sflag:$0x1] =	stream.indirect.gather [hbm4b:s1+s22], $0x80, s13, s22, $0xb8;
	[tilespmem:$0x1E400] =	vst v63  }
0x17c: {  	_ =	swait.ge [sflag:s26], $0x4000  }
0x17d: {  	[sflag:s26] =	ssyncset.done $0x0  }
.Ltmp12:
0x17e: {  	s14 =	simm.s32 $0x1480;
	[sflag:s26] =	ssyncadd.s32 $0xFFFFC000;
	(pc) =	sbr.rel .LBB2_16-.Ltmp12, $4  }
0x17f: {  	[spmem:s2] =	stream.indirect.scatter.add.f32 [tilespmem:s24], [sflag:$0x3], $0x80, s14, s22, $0xb8;
	[tilespmem:$0x1E400] =	vst v63  }
0x180: {  	_ =	swait.ge [sflag:s20], $0x4000  }
0x181: {  	s31 =	simm.s32 $0x1500;
	[sflag:s20] =	ssyncset.done $0x0  }
0x182: {  	s13 =	simm.s32 $0x1580;
	s14 =	simm.s32 $0x180;
	[sflag:s20] =	ssyncadd.s32 $0xFFFFC000  }
.LBB2_18:
0x183: {  	_ =	sfence.sel $0x180000  }
0x184: {  	[bflag:$0x0] =	sbarrier.arrive $0xFFFF  }
0x185: {  	_ =	strace $0x90000047  }
0x186: {  	[bflag:$0x2] =	sbarrier.arrive $0xFFFF  }
0x187: {  	p0 =	sne.s32 s4, $0x0;
	s0 =	rddreg [dreg:$0x4]  }
0x188: {  	s0 =	sadd.s32 @!p0 $0x100000, s0  }
0x189: {  	[sflag:s0] =	ssyncadd.tile.s32 @!p0 $0x1;
	_ =	shalt  }
.Lfunc_end2:
_tile_overlayer_lowered:
.L_overlay_start_2:
0x18a: {  	(tag) =	ssettag $0x2  }
0x18b: {  	s0 =	rddreg [dreg:$0x0];
	s2 =	stileid.u32  }
0x18c: {  	s1 =	rddreg [dreg:$0x1];
	p0 =	sne.s32 s2, $0x0  }
0x18d: {  	s3 =	rddreg [dreg:$0x2];
	[bflag:$0x3] =	sbarrier.arrive $0xFFFF;
	s2 =	simm.s32 @!p0 $0x1C03  }
0x18e: {  	[timem:s3], [sflag:s2] =	dma.local @!p0 [hbm:s0], s1  }
0x18f: {  	s0 =	simm.s32 @!p0 $0x3  }
0x190: {  	_ =	swait.ge @!p0 [sflag:s0], s1  }
0x191: {  	s1 =	ssub.s32 @!p0 $0x0, s1;
	[sflag:s0] =	ssyncset.done @!p0 $0x0  }
0x192: {  	[sflag:s0] =	ssyncadd.s32 @!p0 s1  }
0x193: {  	[bflag:$0x3] =	sbarrier.arrive $0xFFFF  }
0x194: {  	_ =	shalt  }

</sc_bundles>
